<compile_context>
chip_gen: v7x
topology: tpu7x:2x2x1
jax: 0.10.2.dev20260603
libtpu: 0.0.44.dev20260713+nightly
codegen_flags: <defaults>
</compile_context>

<pallas_src>
import functools

import jax
import jax.numpy as jnp
from jax import lax
from jax.experimental import pallas as pl
from jax.experimental.pallas import tpu as pltpu
from jax.experimental.pallas import tpu_sc as plsc

VOCAB = 100000
MAXLEN = 2048
DIM = 768
B = 4
S = 2048
N = B * S

NSPLIT = 2
NP = N // NSPLIT
BH = B // NSPLIT

NC = 2
NS = 16
NW = NC * NS
ROWS_PER_W = NP // NW
CHUNK = 64
NCHUNK = ROWS_PER_W // CHUNK


def _sc_gather_kernel(piece, table_hbm, idx_hbm, out_hbm,
                      idx0, idx1, buf0, buf1, sem0, sem1, osem0, osem1):
  wid = lax.axis_index("s") * NC + lax.axis_index("c")
  base = pl.multiple_of(wid * ROWS_PER_W, ROWS_PER_W)

  idxs = (idx0, idx1)
  bufs = (buf0, buf1)
  sems = (sem0, sem1)
  osems = (osem0, osem1)

  def start(ci):
    off = pl.multiple_of(base + ci * CHUNK, CHUNK)
    slot = ci % 2
    grow = piece * NP + off
    b = lax.div(grow, S)
    col = pl.multiple_of(lax.rem(grow, S), CHUNK)
    pltpu.sync_copy(idx_hbm.at[b, pl.ds(col, CHUNK)], idxs[slot])
    return pltpu.async_copy(table_hbm.at[idxs[slot]], bufs[slot], sems[slot])

  gathers = [start(ci) for ci in range(NCHUNK)]
  outs = []
  for ci in range(NCHUNK):
    gathers[ci].wait()
    off = pl.multiple_of(base + ci * CHUNK, CHUNK)
    outs.append(pltpu.async_copy(bufs[ci % 2],
                                 out_hbm.at[pl.ds(off, CHUNK)],
                                 osems[ci % 2]))
  for cp in outs:
    cp.wait()


def _make_sc_gather(piece):
  mesh = plsc.VectorSubcoreMesh(core_axis_name="c", subcore_axis_name="s")
  k = functools.partial(
      pl.kernel, mesh=mesh,
      out_type=jax.ShapeDtypeStruct((NP, DIM), jnp.float32),
      scratch_types=[
          pltpu.VMEM((CHUNK,), jnp.int32),
          pltpu.VMEM((CHUNK,), jnp.int32),
          pltpu.VMEM((CHUNK, DIM), jnp.float32),
          pltpu.VMEM((CHUNK, DIM), jnp.float32),
          pltpu.SemaphoreType.DMA,
          pltpu.SemaphoreType.DMA,
          pltpu.SemaphoreType.DMA,
          pltpu.SemaphoreType.DMA,
      ],
  )(functools.partial(_sc_gather_kernel, piece))
  return k


BS = 2048
SB = S // BS
PB = NP // BS


def _tc_ln_kernel(g_ref, pos_ref, tt_ref, w01_ref, gamma_ref, beta_ref,
                  out_ref):
  row0 = w01_ref[0, :]
  drow = w01_ref[1, :] - row0
  x = g_ref[...] + pos_ref[...]
  x = x + row0[None, :] + tt_ref[...] * drow[None, :]
  mean = jnp.mean(x, axis=-1, keepdims=True)
  xc = x - mean
  var = jnp.mean(xc * xc, axis=-1, keepdims=True)
  y = xc * lax.rsqrt(var + 1e-5)
  out_ref[...] = y * gamma_ref[...] + beta_ref[...]


def _tc_ln_kernel_aliased(g_ref, pos_ref, tt_ref, w01_ref, gamma_ref,
                          beta_ref, prev_ref, out_ref):
  del prev_ref
  _tc_ln_kernel(g_ref, pos_ref, tt_ref, w01_ref, gamma_ref, beta_ref,
                out_ref)


def _make_tc_ln(piece):
  first = piece == 0
  body = _tc_ln_kernel if first else _tc_ln_kernel_aliased
  in_specs = [
      pl.BlockSpec((BS, DIM), lambda s, b: (b * SB + s, 0)),
      pl.BlockSpec((BS, DIM), lambda s, b: (s, 0)),
      pl.BlockSpec((BS, 1),
                   lambda s, b, p=piece: ((p * BH + b) * SB + s, 0)),
      pl.BlockSpec((8, DIM), lambda s, b: (0, 0)),
      pl.BlockSpec((1, DIM), lambda s, b: (0, 0)),
      pl.BlockSpec((1, DIM), lambda s, b: (0, 0)),
  ]
  if not first:
    in_specs.append(pl.BlockSpec((8, DIM), lambda s, b: (0, 0)))
  return pl.pallas_call(
      body,
      grid=(SB, BH),
      in_specs=in_specs,
      out_specs=pl.BlockSpec(
          (BS, DIM), lambda s, b, p=piece: ((p * BH + b) * SB + s, 0)),
      out_shape=jax.ShapeDtypeStruct((N, DIM), jnp.float32),
      input_output_aliases={} if first else {6: 0},
  )


@jax.jit
def _run(input_ids, ttf, W_word, W_tt, gamma2d, beta2d):
  gs = [_make_sc_gather(p)(W_word, input_ids) for p in range(NSPLIT)]
  out = _make_tc_ln(0)(gs[0], W_tt, ttf, W_tt, gamma2d, beta2d)
  for p in range(1, NSPLIT):
    out = _make_tc_ln(p)(gs[p], W_tt, ttf, W_tt, gamma2d, beta2d, out)
  return out


def kernel(input_ids, token_type_ids, W_word, W_tt, gamma, beta):
  ids2d = input_ids.astype(jnp.int32)
  ttf = token_type_ids.reshape(N, 1).astype(jnp.float32)
  out = _run(ids2d, ttf, W_word, W_tt,
             gamma.reshape(1, DIM), beta.reshape(1, DIM))
  return out.reshape(B, S, DIM)

# --- scband reference (transcript-rebuilt; emitter-appended) ---
"""Pipeline reference for scband-embeddings-71038759076384 (READ-ONLY COPY).

The authoritative reference and input builder live on the scoring server;
editing this copy changes nothing except your own understanding.
"""

import jax, jax.numpy as jnp
import numpy as np

VOCAB = 100000
MAXLEN = 2048
DIM = 768
B = 4
S = 2048


def setup_inputs(seed: int = 0) -> dict:
    key = jax.random.key(seed)
    k1, k2, k3, k4 = jax.random.split(key, 4)
    input_ids = jax.random.randint(k1, (B, S), 0, VOCAB)
    token_type_ids = jax.random.randint(k2, (B, S), 0, 2)
    W_word = jax.random.normal(k3, (VOCAB, DIM), dtype=jnp.float32) * 0.02
    W_tt = jax.random.normal(k4, (MAXLEN, DIM), dtype=jnp.float32) * 0.02
    gamma = jnp.ones((DIM,), dtype=jnp.float32)
    beta = jnp.zeros((DIM,), dtype=jnp.float32)
    return {"input_ids": input_ids, "token_type_ids": token_type_ids,
            "W_word": W_word, "W_tt": W_tt, "gamma": gamma, "beta": beta}


def reference(input_ids, token_type_ids, W_word, W_tt, gamma, beta):
    # Faithful translation: note the original forward uses token_type_embeddings
    # for BOTH token_type_ids and position_ids (position_embeddings table is unused).
    seq_length = input_ids.shape[1]
    position_ids = jnp.arange(seq_length, dtype=jnp.int32)[None, :]
    X_token = jnp.take(W_word, input_ids, axis=0)
    X_seq = jnp.take(W_tt, token_type_ids, axis=0)
    X_pos = jnp.take(W_tt, position_ids, axis=0)
    X = X_token + X_pos + X_seq
    # LayerNorm (eps=1e-5); dropout is identity at inference
    mean = jnp.mean(X, axis=-1, keepdims=True)
    var = jnp.mean((X - mean) ** 2, axis=-1, keepdims=True)
    X = (X - mean) / jnp.sqrt(var + 1e-5) * gamma + beta
    return X

if __name__ == "__main__":
    import jax
    _d = setup_inputs()
    print(jax.jit(kernel)(*tuple(_d.values())))

</pallas_src>

<mosaic_0001>
#map = affine_map<(d0, d1) -> (0, 0)>
module attributes {stable_mosaic.version = 14 : i64} {
  func.func @_sc_gather_kernel(%arg0: i32, %arg1: i32, %arg2: memref<100000x768xf32, #tpu.memory_space<hbm>>, %arg3: memref<4x2048xi32, #tpu.memory_space<hbm>>, %arg4: memref<4096x768xf32, #tpu.memory_space<hbm>>, %arg5: memref<64xi32, #tpu.memory_space<vmem>>, %arg6: memref<64xi32, #tpu.memory_space<vmem>>, %arg7: memref<64x768xf32, #tpu.memory_space<vmem>>, %arg8: memref<64x768xf32, #tpu.memory_space<vmem>>, %arg9: memref<!tpu.dma_semaphore, #tpu.memory_space<semaphore_mem>>, %arg10: memref<!tpu.dma_semaphore, #tpu.memory_space<semaphore_mem>>, %arg11: memref<!tpu.dma_semaphore, #tpu.memory_space<semaphore_mem>>, %arg12: memref<!tpu.dma_semaphore, #tpu.memory_space<semaphore_mem>>) attributes {dimension_semantics = [#tpu.dimension_semantics<core_parallel>, #tpu.dimension_semantics<subcore_parallel>], iteration_bounds = array<i64: 2, 16>, scalar_prefetch = 0 : i64, scratch_operands = 8 : i64, tpu.core_type = #tpu.core_type<sc_vector_subcore>, window_params = [{transform_indices = #map}, {transform_indices = #map}, {transform_indices = #map}]} {
    %mul3A = arith.constant 2 : i32
    %mul3A_0 = arith.muli %arg1, %mul3A : i32
    %add3A = arith.addi %mul3A_0, %arg0 : i32
    %mul3A_1 = arith.constant 128 : i32
    %mul3A_2 = arith.muli %add3A, %mul3A_1 : i32
    %multiple_of3A = tpu.assume_multiple %mul3A_2, 128 : i32
    %add3A_3 = arith.constant 0 : i32
    %add3A_4 = arith.addi %multiple_of3A, %add3A_3 : i32
    %multiple_of3A_5 = tpu.assume_multiple %add3A_4, 64 : i32
    %add3A_6 = arith.constant 0 : i32
    %add3A_7 = arith.addi %add3A_6, %multiple_of3A_5 : i32
    %div3A = arith.constant 2048 : i32
    %div3A_8 = arith.divsi %add3A_7, %div3A : i32
    %rem3A = arith.constant 2048 : i32
    %rem3A_9 = arith.remsi %add3A_7, %rem3A : i32
    %multiple_of3A_10 = tpu.assume_multiple %rem3A_9, 64 : i32
    "tpu.region"() ({
      %run_scoped3A = tpu.sem_alloc : memref<!tpu.dma_semaphore, #tpu.memory_space<semaphore_mem>>
      %dma_start3A_53 = tpu.memref_slice %arg3[%div3A_8, %multiple_of3A_10] : memref<4x2048xi32, #tpu.memory_space<hbm>> -> memref<1x64xi32, #tpu.memory_space<hbm>>
      %dma_start3A_54 = tpu.memref_squeeze %dma_start3A_53 : memref<1x64xi32, #tpu.memory_space<hbm>> -> memref<64xi32, #tpu.memory_space<hbm>>
      %dma_start3A_55 = tpu.memref_slice %arg3[%div3A_8, %multiple_of3A_10] : memref<4x2048xi32, #tpu.memory_space<hbm>> -> memref<1x64xi32, #tpu.memory_space<hbm>>
      %dma_start3A_56 = tpu.memref_squeeze %dma_start3A_55 : memref<1x64xi32, #tpu.memory_space<hbm>> -> memref<64xi32, #tpu.memory_space<hbm>>
      tpu.enqueue_dma source(%dma_start3A_56 : memref<64xi32, #tpu.memory_space<hbm>>) target(%arg5 : memref<64xi32, #tpu.memory_space<vmem>>) target_semaphore(%run_scoped3A : memref<!tpu.dma_semaphore, #tpu.memory_space<semaphore_mem>>)
      %dma_wait3A_57 = tpu.memref_slice %arg3[%div3A_8, %multiple_of3A_10] : memref<4x2048xi32, #tpu.memory_space<hbm>> -> memref<1x64xi32, #tpu.memory_space<hbm>>
      %dma_wait3A_58 = tpu.memref_squeeze %dma_wait3A_57 : memref<1x64xi32, #tpu.memory_space<hbm>> -> memref<64xi32, #tpu.memory_space<hbm>>
      %dma_wait3A_59 = tpu.memref_slice %arg3[%div3A_8, %multiple_of3A_10] : memref<4x2048xi32, #tpu.memory_space<hbm>> -> memref<1x64xi32, #tpu.memory_space<hbm>>
      %dma_wait3A_60 = tpu.memref_squeeze %dma_wait3A_59 : memref<1x64xi32, #tpu.memory_space<hbm>> -> memref<64xi32, #tpu.memory_space<hbm>>
      tpu.wait_dma2 semaphore(%run_scoped3A : memref<!tpu.dma_semaphore, #tpu.memory_space<semaphore_mem>>) src(%dma_wait3A_60 : memref<64xi32, #tpu.memory_space<hbm>>) dst(%arg5 : memref<64xi32, #tpu.memory_space<vmem>>)
      tpu.yield
    }) : () -> ()
    %dma_start3A = arith.constant 0 : i32
    %dma_start3A_11 = arith.constant 0 : i32
    %dma_start3A_12 = tpu.memref_slice %arg2[%dma_start3A, %dma_start3A_11] : memref<100000x768xf32, #tpu.memory_space<hbm>> -> memref<100000x768xf32, #tpu.memory_space<hbm>>
    tpu.enqueue_indirect_dma source(%dma_start3A_12 : memref<100000x768xf32, #tpu.memory_space<hbm>>) target(%arg7 : memref<64x768xf32, #tpu.memory_space<vmem>>) offsets(%arg5 : memref<64xi32, #tpu.memory_space<vmem>>) semaphore(%arg9 : memref<!tpu.dma_semaphore, #tpu.memory_space<semaphore_mem>>)
    %add3A_13 = arith.constant 64 : i32
    %add3A_14 = arith.addi %multiple_of3A, %add3A_13 : i32
    %multiple_of3A_15 = tpu.assume_multiple %add3A_14, 64 : i32
    %add3A_16 = arith.constant 0 : i32
    %add3A_17 = arith.addi %add3A_16, %multiple_of3A_15 : i32
    %div3A_18 = arith.constant 2048 : i32
    %div3A_19 = arith.divsi %add3A_17, %div3A_18 : i32
    %rem3A_20 = arith.constant 2048 : i32
    %rem3A_21 = arith.remsi %add3A_17, %rem3A_20 : i32
    %multiple_of3A_22 = tpu.assume_multiple %rem3A_21, 64 : i32
    "tpu.region"() ({
      %run_scoped3A = tpu.sem_alloc : memref<!tpu.dma_semaphore, #tpu.memory_space<semaphore_mem>>
      %dma_start3A_53 = tpu.memref_slice %arg3[%div3A_19, %multiple_of3A_22] : memref<4x2048xi32, #tpu.memory_space<hbm>> -> memref<1x64xi32, #tpu.memory_space<hbm>>
      %dma_start3A_54 = tpu.memref_squeeze %dma_start3A_53 : memref<1x64xi32, #tpu.memory_space<hbm>> -> memref<64xi32, #tpu.memory_space<hbm>>
      %dma_start3A_55 = tpu.memref_slice %arg3[%div3A_19, %multiple_of3A_22] : memref<4x2048xi32, #tpu.memory_space<hbm>> -> memref<1x64xi32, #tpu.memory_space<hbm>>
      %dma_start3A_56 = tpu.memref_squeeze %dma_start3A_55 : memref<1x64xi32, #tpu.memory_space<hbm>> -> memref<64xi32, #tpu.memory_space<hbm>>
      tpu.enqueue_dma source(%dma_start3A_56 : memref<64xi32, #tpu.memory_space<hbm>>) target(%arg6 : memref<64xi32, #tpu.memory_space<vmem>>) target_semaphore(%run_scoped3A : memref<!tpu.dma_semaphore, #tpu.memory_space<semaphore_mem>>)
      %dma_wait3A_57 = tpu.memref_slice %arg3[%div3A_19, %multiple_of3A_22] : memref<4x2048xi32, #tpu.memory_space<hbm>> -> memref<1x64xi32, #tpu.memory_space<hbm>>
      %dma_wait3A_58 = tpu.memref_squeeze %dma_wait3A_57 : memref<1x64xi32, #tpu.memory_space<hbm>> -> memref<64xi32, #tpu.memory_space<hbm>>
      %dma_wait3A_59 = tpu.memref_slice %arg3[%div3A_19, %multiple_of3A_22] : memref<4x2048xi32, #tpu.memory_space<hbm>> -> memref<1x64xi32, #tpu.memory_space<hbm>>
      %dma_wait3A_60 = tpu.memref_squeeze %dma_wait3A_59 : memref<1x64xi32, #tpu.memory_space<hbm>> -> memref<64xi32, #tpu.memory_space<hbm>>
      tpu.wait_dma2 semaphore(%run_scoped3A : memref<!tpu.dma_semaphore, #tpu.memory_space<semaphore_mem>>) src(%dma_wait3A_60 : memref<64xi32, #tpu.memory_space<hbm>>) dst(%arg6 : memref<64xi32, #tpu.memory_space<vmem>>)
      tpu.yield
    }) : () -> ()
    %dma_start3A_23 = arith.constant 0 : i32
    %dma_start3A_24 = arith.constant 0 : i32
    %dma_start3A_25 = tpu.memref_slice %arg2[%dma_start3A_23, %dma_start3A_24] : memref<100000x768xf32, #tpu.memory_space<hbm>> -> memref<100000x768xf32, #tpu.memory_space<hbm>>
    tpu.enqueue_indirect_dma source(%dma_start3A_25 : memref<100000x768xf32, #tpu.memory_space<hbm>>) target(%arg8 : memref<64x768xf32, #tpu.memory_space<vmem>>) offsets(%arg6 : memref<64xi32, #tpu.memory_space<vmem>>) semaphore(%arg10 : memref<!tpu.dma_semaphore, #tpu.memory_space<semaphore_mem>>)
    %dma_wait3A = arith.constant 0 : i32
    %dma_wait3A_26 = arith.constant 0 : i32
    %dma_wait3A_27 = tpu.memref_slice %arg2[%dma_wait3A, %dma_wait3A_26] : memref<100000x768xf32, #tpu.memory_space<hbm>> -> memref<100000x768xf32, #tpu.memory_space<hbm>>
    tpu.wait_indirect_dma semaphore(%arg9 : memref<!tpu.dma_semaphore, #tpu.memory_space<semaphore_mem>>) src(%dma_wait3A_27 : memref<100000x768xf32, #tpu.memory_space<hbm>>) dst(%arg7 : memref<64x768xf32, #tpu.memory_space<vmem>>)
    %add3A_28 = arith.constant 0 : i32
    %add3A_29 = arith.addi %multiple_of3A, %add3A_28 : i32
    %multiple_of3A_30 = tpu.assume_multiple %add3A_29, 64 : i32
    %dma_start3A_31 = arith.constant 0 : i32
    %dma_start3A_32 = tpu.memref_slice %arg4[%multiple_of3A_30, %dma_start3A_31] : memref<4096x768xf32, #tpu.memory_space<hbm>> -> memref<64x768xf32, #tpu.memory_space<hbm>>
    %dma_start3A_33 = arith.constant 0 : i32
    %dma_start3A_34 = tpu.memref_slice %arg4[%multiple_of3A_30, %dma_start3A_33] : memref<4096x768xf32, #tpu.memory_space<hbm>> -> memref<64x768xf32, #tpu.memory_space<hbm>>
    tpu.enqueue_dma source(%arg7 : memref<64x768xf32, #tpu.memory_space<vmem>>) target(%dma_start3A_34 : memref<64x768xf32, #tpu.memory_space<hbm>>) target_semaphore(%arg11 : memref<!tpu.dma_semaphore, #tpu.memory_space<semaphore_mem>>)
    %dma_wait3A_35 = arith.constant 0 : i32
    %dma_wait3A_36 = arith.constant 0 : i32
    %dma_wait3A_37 = tpu.memref_slice %arg2[%dma_wait3A_35, %dma_wait3A_36] : memref<100000x768xf32, #tpu.memory_space<hbm>> -> memref<100000x768xf32, #tpu.memory_space<hbm>>
    tpu.wait_indirect_dma semaphore(%arg10 : memref<!tpu.dma_semaphore, #tpu.memory_space<semaphore_mem>>) src(%dma_wait3A_37 : memref<100000x768xf32, #tpu.memory_space<hbm>>) dst(%arg8 : memref<64x768xf32, #tpu.memory_space<vmem>>)
    %add3A_38 = arith.constant 64 : i32
    %add3A_39 = arith.addi %multiple_of3A, %add3A_38 : i32
    %multiple_of3A_40 = tpu.assume_multiple %add3A_39, 64 : i32
    %dma_start3A_41 = arith.constant 0 : i32
    %dma_start3A_42 = tpu.memref_slice %arg4[%multiple_of3A_40, %dma_start3A_41] : memref<4096x768xf32, #tpu.memory_space<hbm>> -> memref<64x768xf32, #tpu.memory_space<hbm>>
    %dma_start3A_43 = arith.constant 0 : i32
    %dma_start3A_44 = tpu.memref_slice %arg4[%multiple_of3A_40, %dma_start3A_43] : memref<4096x768xf32, #tpu.memory_space<hbm>> -> memref<64x768xf32, #tpu.memory_space<hbm>>
    tpu.enqueue_dma source(%arg8 : memref<64x768xf32, #tpu.memory_space<vmem>>) target(%dma_start3A_44 : memref<64x768xf32, #tpu.memory_space<hbm>>) target_semaphore(%arg12 : memref<!tpu.dma_semaphore, #tpu.memory_space<semaphore_mem>>)
    %dma_wait3A_45 = arith.constant 0 : i32
    %dma_wait3A_46 = tpu.memref_slice %arg4[%multiple_of3A_30, %dma_wait3A_45] : memref<4096x768xf32, #tpu.memory_space<hbm>> -> memref<64x768xf32, #tpu.memory_space<hbm>>
    %dma_wait3A_47 = arith.constant 0 : i32
    %dma_wait3A_48 = tpu.memref_slice %arg4[%multiple_of3A_30, %dma_wait3A_47] : memref<4096x768xf32, #tpu.memory_space<hbm>> -> memref<64x768xf32, #tpu.memory_space<hbm>>
    tpu.wait_dma2 semaphore(%arg11 : memref<!tpu.dma_semaphore, #tpu.memory_space<semaphore_mem>>) src(%arg7 : memref<64x768xf32, #tpu.memory_space<vmem>>) dst(%dma_wait3A_48 : memref<64x768xf32, #tpu.memory_space<hbm>>)
    %dma_wait3A_49 = arith.constant 0 : i32
    %dma_wait3A_50 = tpu.memref_slice %arg4[%multiple_of3A_40, %dma_wait3A_49] : memref<4096x768xf32, #tpu.memory_space<hbm>> -> memref<64x768xf32, #tpu.memory_space<hbm>>
    %dma_wait3A_51 = arith.constant 0 : i32
    %dma_wait3A_52 = tpu.memref_slice %arg4[%multiple_of3A_40, %dma_wait3A_51] : memref<4096x768xf32, #tpu.memory_space<hbm>> -> memref<64x768xf32, #tpu.memory_space<hbm>>
    tpu.wait_dma2 semaphore(%arg12 : memref<!tpu.dma_semaphore, #tpu.memory_space<semaphore_mem>>) src(%arg8 : memref<64x768xf32, #tpu.memory_space<vmem>>) dst(%dma_wait3A_52 : memref<64x768xf32, #tpu.memory_space<hbm>>)
    return
  }
}

#map = affine_map<(d0, d1) -> (0, 0)>
module attributes {stable_mosaic.version = 14 : i64} {
  func.func @_sc_gather_kernel(%arg0: i32, %arg1: i32, %arg2: memref<100000x768xf32, #tpu.memory_space<hbm>>, %arg3: memref<4x2048xi32, #tpu.memory_space<hbm>>, %arg4: memref<4096x768xf32, #tpu.memory_space<hbm>>, %arg5: memref<64xi32, #tpu.memory_space<vmem>>, %arg6: memref<64xi32, #tpu.memory_space<vmem>>, %arg7: memref<64x768xf32, #tpu.memory_space<vmem>>, %arg8: memref<64x768xf32, #tpu.memory_space<vmem>>, %arg9: memref<!tpu.dma_semaphore, #tpu.memory_space<semaphore_mem>>, %arg10: memref<!tpu.dma_semaphore, #tpu.memory_space<semaphore_mem>>, %arg11: memref<!tpu.dma_semaphore, #tpu.memory_space<semaphore_mem>>, %arg12: memref<!tpu.dma_semaphore, #tpu.memory_space<semaphore_mem>>) attributes {dimension_semantics = [#tpu.dimension_semantics<core_parallel>, #tpu.dimension_semantics<subcore_parallel>], iteration_bounds = array<i64: 2, 16>, scalar_prefetch = 0 : i64, scratch_operands = 8 : i64, tpu.core_type = #tpu.core_type<sc_vector_subcore>, window_params = [{transform_indices = #map}, {transform_indices = #map}, {transform_indices = #map}]} {
    %mul3A = arith.constant 2 : i32
    %mul3A_0 = arith.muli %arg1, %mul3A : i32
    %add3A = arith.addi %mul3A_0, %arg0 : i32
    %mul3A_1 = arith.constant 128 : i32
    %mul3A_2 = arith.muli %add3A, %mul3A_1 : i32
    %multiple_of3A = tpu.assume_multiple %mul3A_2, 128 : i32
    %add3A_3 = arith.constant 0 : i32
    %add3A_4 = arith.addi %multiple_of3A, %add3A_3 : i32
    %multiple_of3A_5 = tpu.assume_multiple %add3A_4, 64 : i32
    %add3A_6 = arith.constant 4096 : i32
    %add3A_7 = arith.addi %add3A_6, %multiple_of3A_5 : i32
    %div3A = arith.constant 2048 : i32
    %div3A_8 = arith.divsi %add3A_7, %div3A : i32
    %rem3A = arith.constant 2048 : i32
    %rem3A_9 = arith.remsi %add3A_7, %rem3A : i32
    %multiple_of3A_10 = tpu.assume_multiple %rem3A_9, 64 : i32
    "tpu.region"() ({
      %run_scoped3A = tpu.sem_alloc : memref<!tpu.dma_semaphore, #tpu.memory_space<semaphore_mem>>
      %dma_start3A_53 = tpu.memref_slice %arg3[%div3A_8, %multiple_of3A_10] : memref<4x2048xi32, #tpu.memory_space<hbm>> -> memref<1x64xi32, #tpu.memory_space<hbm>>
      %dma_start3A_54 = tpu.memref_squeeze %dma_start3A_53 : memref<1x64xi32, #tpu.memory_space<hbm>> -> memref<64xi32, #tpu.memory_space<hbm>>
      %dma_start3A_55 = tpu.memref_slice %arg3[%div3A_8, %multiple_of3A_10] : memref<4x2048xi32, #tpu.memory_space<hbm>> -> memref<1x64xi32, #tpu.memory_space<hbm>>
      %dma_start3A_56 = tpu.memref_squeeze %dma_start3A_55 : memref<1x64xi32, #tpu.memory_space<hbm>> -> memref<64xi32, #tpu.memory_space<hbm>>
      tpu.enqueue_dma source(%dma_start3A_56 : memref<64xi32, #tpu.memory_space<hbm>>) target(%arg5 : memref<64xi32, #tpu.memory_space<vmem>>) target_semaphore(%run_scoped3A : memref<!tpu.dma_semaphore, #tpu.memory_space<semaphore_mem>>)
      %dma_wait3A_57 = tpu.memref_slice %arg3[%div3A_8, %multiple_of3A_10] : memref<4x2048xi32, #tpu.memory_space<hbm>> -> memref<1x64xi32, #tpu.memory_space<hbm>>
      %dma_wait3A_58 = tpu.memref_squeeze %dma_wait3A_57 : memref<1x64xi32, #tpu.memory_space<hbm>> -> memref<64xi32, #tpu.memory_space<hbm>>
      %dma_wait3A_59 = tpu.memref_slice %arg3[%div3A_8, %multiple_of3A_10] : memref<4x2048xi32, #tpu.memory_space<hbm>> -> memref<1x64xi32, #tpu.memory_space<hbm>>
      %dma_wait3A_60 = tpu.memref_squeeze %dma_wait3A_59 : memref<1x64xi32, #tpu.memory_space<hbm>> -> memref<64xi32, #tpu.memory_space<hbm>>
      tpu.wait_dma2 semaphore(%run_scoped3A : memref<!tpu.dma_semaphore, #tpu.memory_space<semaphore_mem>>) src(%dma_wait3A_60 : memref<64xi32, #tpu.memory_space<hbm>>) dst(%arg5 : memref<64xi32, #tpu.memory_space<vmem>>)
      tpu.yield
    }) : () -> ()
    %dma_start3A = arith.constant 0 : i32
    %dma_start3A_11 = arith.constant 0 : i32
    %dma_start3A_12 = tpu.memref_slice %arg2[%dma_start3A, %dma_start3A_11] : memref<100000x768xf32, #tpu.memory_space<hbm>> -> memref<100000x768xf32, #tpu.memory_space<hbm>>
    tpu.enqueue_indirect_dma source(%dma_start3A_12 : memref<100000x768xf32, #tpu.memory_space<hbm>>) target(%arg7 : memref<64x768xf32, #tpu.memory_space<vmem>>) offsets(%arg5 : memref<64xi32, #tpu.memory_space<vmem>>) semaphore(%arg9 : memref<!tpu.dma_semaphore, #tpu.memory_space<semaphore_mem>>)
    %add3A_13 = arith.constant 64 : i32
    %add3A_14 = arith.addi %multiple_of3A, %add3A_13 : i32
    %multiple_of3A_15 = tpu.assume_multiple %add3A_14, 64 : i32
    %add3A_16 = arith.constant 4096 : i32
    %add3A_17 = arith.addi %add3A_16, %multiple_of3A_15 : i32
    %div3A_18 = arith.constant 2048 : i32
    %div3A_19 = arith.divsi %add3A_17, %div3A_18 : i32
    %rem3A_20 = arith.constant 2048 : i32
    %rem3A_21 = arith.remsi %add3A_17, %rem3A_20 : i32
    %multiple_of3A_22 = tpu.assume_multiple %rem3A_21, 64 : i32
    "tpu.region"() ({
      %run_scoped3A = tpu.sem_alloc : memref<!tpu.dma_semaphore, #tpu.memory_space<semaphore_mem>>
      %dma_start3A_53 = tpu.memref_slice %arg3[%div3A_19, %multiple_of3A_22] : memref<4x2048xi32, #tpu.memory_space<hbm>> -> memref<1x64xi32, #tpu.memory_space<hbm>>
      %dma_start3A_54 = tpu.memref_squeeze %dma_start3A_53 : memref<1x64xi32, #tpu.memory_space<hbm>> -> memref<64xi32, #tpu.memory_space<hbm>>
      %dma_start3A_55 = tpu.memref_slice %arg3[%div3A_19, %multiple_of3A_22] : memref<4x2048xi32, #tpu.memory_space<hbm>> -> memref<1x64xi32, #tpu.memory_space<hbm>>
      %dma_start3A_56 = tpu.memref_squeeze %dma_start3A_55 : memref<1x64xi32, #tpu.memory_space<hbm>> -> memref<64xi32, #tpu.memory_space<hbm>>
      tpu.enqueue_dma source(%dma_start3A_56 : memref<64xi32, #tpu.memory_space<hbm>>) target(%arg6 : memref<64xi32, #tpu.memory_space<vmem>>) target_semaphore(%run_scoped3A : memref<!tpu.dma_semaphore, #tpu.memory_space<semaphore_mem>>)
      %dma_wait3A_57 = tpu.memref_slice %arg3[%div3A_19, %multiple_of3A_22] : memref<4x2048xi32, #tpu.memory_space<hbm>> -> memref<1x64xi32, #tpu.memory_space<hbm>>
      %dma_wait3A_58 = tpu.memref_squeeze %dma_wait3A_57 : memref<1x64xi32, #tpu.memory_space<hbm>> -> memref<64xi32, #tpu.memory_space<hbm>>
      %dma_wait3A_59 = tpu.memref_slice %arg3[%div3A_19, %multiple_of3A_22] : memref<4x2048xi32, #tpu.memory_space<hbm>> -> memref<1x64xi32, #tpu.memory_space<hbm>>
      %dma_wait3A_60 = tpu.memref_squeeze %dma_wait3A_59 : memref<1x64xi32, #tpu.memory_space<hbm>> -> memref<64xi32, #tpu.memory_space<hbm>>
      tpu.wait_dma2 semaphore(%run_scoped3A : memref<!tpu.dma_semaphore, #tpu.memory_space<semaphore_mem>>) src(%dma_wait3A_60 : memref<64xi32, #tpu.memory_space<hbm>>) dst(%arg6 : memref<64xi32, #tpu.memory_space<vmem>>)
      tpu.yield
    }) : () -> ()
    %dma_start3A_23 = arith.constant 0 : i32
    %dma_start3A_24 = arith.constant 0 : i32
    %dma_start3A_25 = tpu.memref_slice %arg2[%dma_start3A_23, %dma_start3A_24] : memref<100000x768xf32, #tpu.memory_space<hbm>> -> memref<100000x768xf32, #tpu.memory_space<hbm>>
    tpu.enqueue_indirect_dma source(%dma_start3A_25 : memref<100000x768xf32, #tpu.memory_space<hbm>>) target(%arg8 : memref<64x768xf32, #tpu.memory_space<vmem>>) offsets(%arg6 : memref<64xi32, #tpu.memory_space<vmem>>) semaphore(%arg10 : memref<!tpu.dma_semaphore, #tpu.memory_space<semaphore_mem>>)
    %dma_wait3A = arith.constant 0 : i32
    %dma_wait3A_26 = arith.constant 0 : i32
    %dma_wait3A_27 = tpu.memref_slice %arg2[%dma_wait3A, %dma_wait3A_26] : memref<100000x768xf32, #tpu.memory_space<hbm>> -> memref<100000x768xf32, #tpu.memory_space<hbm>>
    tpu.wait_indirect_dma semaphore(%arg9 : memref<!tpu.dma_semaphore, #tpu.memory_space<semaphore_mem>>) src(%dma_wait3A_27 : memref<100000x768xf32, #tpu.memory_space<hbm>>) dst(%arg7 : memref<64x768xf32, #tpu.memory_space<vmem>>)
    %add3A_28 = arith.constant 0 : i32
    %add3A_29 = arith.addi %multiple_of3A, %add3A_28 : i32
    %multiple_of3A_30 = tpu.assume_multiple %add3A_29, 64 : i32
    %dma_start3A_31 = arith.constant 0 : i32
    %dma_start3A_32 = tpu.memref_slice %arg4[%multiple_of3A_30, %dma_start3A_31] : memref<4096x768xf32, #tpu.memory_space<hbm>> -> memref<64x768xf32, #tpu.memory_space<hbm>>
    %dma_start3A_33 = arith.constant 0 : i32
    %dma_start3A_34 = tpu.memref_slice %arg4[%multiple_of3A_30, %dma_start3A_33] : memref<4096x768xf32, #tpu.memory_space<hbm>> -> memref<64x768xf32, #tpu.memory_space<hbm>>
    tpu.enqueue_dma source(%arg7 : memref<64x768xf32, #tpu.memory_space<vmem>>) target(%dma_start3A_34 : memref<64x768xf32, #tpu.memory_space<hbm>>) target_semaphore(%arg11 : memref<!tpu.dma_semaphore, #tpu.memory_space<semaphore_mem>>)
    %dma_wait3A_35 = arith.constant 0 : i32
    %dma_wait3A_36 = arith.constant 0 : i32
    %dma_wait3A_37 = tpu.memref_slice %arg2[%dma_wait3A_35, %dma_wait3A_36] : memref<100000x768xf32, #tpu.memory_space<hbm>> -> memref<100000x768xf32, #tpu.memory_space<hbm>>
    tpu.wait_indirect_dma semaphore(%arg10 : memref<!tpu.dma_semaphore, #tpu.memory_space<semaphore_mem>>) src(%dma_wait3A_37 : memref<100000x768xf32, #tpu.memory_space<hbm>>) dst(%arg8 : memref<64x768xf32, #tpu.memory_space<vmem>>)
    %add3A_38 = arith.constant 64 : i32
    %add3A_39 = arith.addi %multiple_of3A, %add3A_38 : i32
    %multiple_of3A_40 = tpu.assume_multiple %add3A_39, 64 : i32
    %dma_start3A_41 = arith.constant 0 : i32
    %dma_start3A_42 = tpu.memref_slice %arg4[%multiple_of3A_40, %dma_start3A_41] : memref<4096x768xf32, #tpu.memory_space<hbm>> -> memref<64x768xf32, #tpu.memory_space<hbm>>
    %dma_start3A_43 = arith.constant 0 : i32
    %dma_start3A_44 = tpu.memref_slice %arg4[%multiple_of3A_40, %dma_start3A_43] : memref<4096x768xf32, #tpu.memory_space<hbm>> -> memref<64x768xf32, #tpu.memory_space<hbm>>
    tpu.enqueue_dma source(%arg8 : memref<64x768xf32, #tpu.memory_space<vmem>>) target(%dma_start3A_44 : memref<64x768xf32, #tpu.memory_space<hbm>>) target_semaphore(%arg12 : memref<!tpu.dma_semaphore, #tpu.memory_space<semaphore_mem>>)
    %dma_wait3A_45 = arith.constant 0 : i32
    %dma_wait3A_46 = tpu.memref_slice %arg4[%multiple_of3A_30, %dma_wait3A_45] : memref<4096x768xf32, #tpu.memory_space<hbm>> -> memref<64x768xf32, #tpu.memory_space<hbm>>
    %dma_wait3A_47 = arith.constant 0 : i32
    %dma_wait3A_48 = tpu.memref_slice %arg4[%multiple_of3A_30, %dma_wait3A_47] : memref<4096x768xf32, #tpu.memory_space<hbm>> -> memref<64x768xf32, #tpu.memory_space<hbm>>
    tpu.wait_dma2 semaphore(%arg11 : memref<!tpu.dma_semaphore, #tpu.memory_space<semaphore_mem>>) src(%arg7 : memref<64x768xf32, #tpu.memory_space<vmem>>) dst(%dma_wait3A_48 : memref<64x768xf32, #tpu.memory_space<hbm>>)
    %dma_wait3A_49 = arith.constant 0 : i32
    %dma_wait3A_50 = tpu.memref_slice %arg4[%multiple_of3A_40, %dma_wait3A_49] : memref<4096x768xf32, #tpu.memory_space<hbm>> -> memref<64x768xf32, #tpu.memory_space<hbm>>
    %dma_wait3A_51 = arith.constant 0 : i32
    %dma_wait3A_52 = tpu.memref_slice %arg4[%multiple_of3A_40, %dma_wait3A_51] : memref<4096x768xf32, #tpu.memory_space<hbm>> -> memref<64x768xf32, #tpu.memory_space<hbm>>
    tpu.wait_dma2 semaphore(%arg12 : memref<!tpu.dma_semaphore, #tpu.memory_space<semaphore_mem>>) src(%arg8 : memref<64x768xf32, #tpu.memory_space<vmem>>) dst(%dma_wait3A_52 : memref<64x768xf32, #tpu.memory_space<hbm>>)
    return
  }
}

module attributes {stable_mosaic.version = 14 : i64} {
  func.func @_tc_ln_kernel(%arg0: i32, %arg1: i32, %arg2: memref<2048x768xf32, #tpu.memory_space<vmem>>, %arg3: memref<2048x768xf32, #tpu.memory_space<vmem>>, %arg4: memref<2048x1xf32, #tpu.memory_space<vmem>>, %arg5: memref<8x768xf32, #tpu.memory_space<vmem>>, %arg6: memref<1x768xf32, #tpu.memory_space<vmem>>, %arg7: memref<1x768xf32, #tpu.memory_space<vmem>>, %arg8: memref<2048x768xf32, #tpu.memory_space<vmem>>) attributes {dimension_semantics = [#tpu.dimension_semantics<arbitrary>, #tpu.dimension_semantics<arbitrary>], iteration_bounds = array<i64: 1, 2>, scalar_prefetch = 0 : i64, scratch_operands = 0 : i64, tpu.core_type = #tpu.core_type<tc>, window_params = [{transform_indices = @transform_0, window_bounds = array<i64: 2048, 768>}, {transform_indices = @transform_1, window_bounds = array<i64: 2048, 768>}, {transform_indices = @transform_2, window_bounds = array<i64: 2048, 1>}, {transform_indices = @transform_3, window_bounds = array<i64: 8, 768>}, {pipeline_mode = #tpu.pipeline_mode<synchronous>, transform_indices = @transform_4, window_bounds = array<i64: 1, 768>}, {pipeline_mode = #tpu.pipeline_mode<synchronous>, transform_indices = @transform_5, window_bounds = array<i64: 1, 768>}, {transform_indices = @transform_6, window_bounds = array<i64: 2048, 768>}]} {
    %get3A = arith.constant 0 : index
    %get3A_0 = arith.constant 0 : index
    %get3A_1 = vector.load %arg5[%get3A, %get3A_0] : memref<8x768xf32, #tpu.memory_space<vmem>>, vector<1x768xf32>
    %get3A_2 = vector.shape_cast %get3A_1 : vector<1x768xf32> to vector<768xf32>
    %get3A_3 = arith.constant 1 : index
    %get3A_4 = arith.constant 0 : index
    %get3A_5 = vector.load %arg5[%get3A_3, %get3A_4] : memref<8x768xf32, #tpu.memory_space<vmem>>, vector<1x768xf32>
    %get3A_6 = vector.shape_cast %get3A_5 : vector<1x768xf32> to vector<768xf32>
    %sub3A = arith.subf %get3A_6, %get3A_2 : vector<768xf32>
    %get3A_7 = arith.constant 0 : index
    %get3A_8 = arith.constant 0 : index
    %get3A_9 = vector.load %arg2[%get3A_7, %get3A_8] : memref<2048x768xf32, #tpu.memory_space<vmem>>, vector<2048x768xf32>
    %get3A_10 = arith.constant 0 : index
    %get3A_11 = arith.constant 0 : index
    %get3A_12 = vector.load %arg3[%get3A_10, %get3A_11] : memref<2048x768xf32, #tpu.memory_space<vmem>>, vector<2048x768xf32>
    %add3A = arith.addf %get3A_9, %get3A_12 : vector<2048x768xf32>
    %broadcast_in_dim3A = vector.shape_cast %get3A_2 : vector<768xf32> to vector<1x768xf32>
    %add3A_13 = vector.broadcast %broadcast_in_dim3A : vector<1x768xf32> to vector<2048x768xf32>
    %add3A_14 = arith.addf %add3A, %add3A_13 : vector<2048x768xf32>
    %get3A_15 = arith.constant 0 : index
    %get3A_16 = arith.constant 0 : index
    %get3A_17 = vector.load %arg4[%get3A_15, %get3A_16] : memref<2048x1xf32, #tpu.memory_space<vmem>>, vector<2048x1xf32>
    %broadcast_in_dim3A_18 = vector.shape_cast %sub3A : vector<768xf32> to vector<1x768xf32>
    %mul3A = vector.broadcast %get3A_17 : vector<2048x1xf32> to vector<2048x768xf32>
    %mul3A_19 = vector.broadcast %broadcast_in_dim3A_18 : vector<1x768xf32> to vector<2048x768xf32>
    %mul3A_20 = arith.mulf %mul3A, %mul3A_19 : vector<2048x768xf32>
    %add3A_21 = arith.addf %add3A_14, %mul3A_20 : vector<2048x768xf32>
    %reduce_sum3A = arith.constant dense<0.000000e+00> : vector<2048xf32>
    %reduce_sum3A_22 = vector.multi_reduction <add>, %add3A_21, %reduce_sum3A [1] : vector<2048x768xf32> to vector<2048xf32>
    %broadcast_in_dim3A_23 = vector.shape_cast %reduce_sum3A_22 : vector<2048xf32> to vector<2048x1xf32>
    %div3A = arith.constant 7.680000e+02 : f32
    %div3A_24 = vector.broadcast %div3A : f32 to vector<2048x1xf32>
    %div3A_25 = arith.divf %broadcast_in_dim3A_23, %div3A_24 : vector<2048x1xf32>
    %sub3A_26 = vector.broadcast %div3A_25 : vector<2048x1xf32> to vector<2048x768xf32>
    %sub3A_27 = arith.subf %add3A_21, %sub3A_26 : vector<2048x768xf32>
    %mul3A_28 = arith.mulf %sub3A_27, %sub3A_27 : vector<2048x768xf32>
    %reduce_sum3A_29 = arith.constant dense<0.000000e+00> : vector<2048xf32>
    %reduce_sum3A_30 = vector.multi_reduction <add>, %mul3A_28, %reduce_sum3A_29 [1] : vector<2048x768xf32> to vector<2048xf32>
    %broadcast_in_dim3A_31 = vector.shape_cast %reduce_sum3A_30 : vector<2048xf32> to vector<2048x1xf32>
    %div3A_32 = arith.constant 7.680000e+02 : f32
    %div3A_33 = vector.broadcast %div3A_32 : f32 to vector<2048x1xf32>
    %div3A_34 = arith.divf %broadcast_in_dim3A_31, %div3A_33 : vector<2048x1xf32>
    %add3A_35 = arith.constant 9.99999974E-6 : f32
    %add3A_36 = vector.broadcast %add3A_35 : f32 to vector<2048x1xf32>
    %add3A_37 = arith.addf %div3A_34, %add3A_36 : vector<2048x1xf32>
    %rsqrt3A = math.rsqrt %add3A_37 : vector<2048x1xf32>
    %mul3A_38 = vector.broadcast %rsqrt3A : vector<2048x1xf32> to vector<2048x768xf32>
    %mul3A_39 = arith.mulf %sub3A_27, %mul3A_38 : vector<2048x768xf32>
    %get3A_40 = arith.constant 0 : index
    %get3A_41 = arith.constant 0 : index
    %get3A_42 = vector.load %arg6[%get3A_40, %get3A_41] : memref<1x768xf32, #tpu.memory_space<vmem>>, vector<1x768xf32>
    %mul3A_43 = vector.broadcast %get3A_42 : vector<1x768xf32> to vector<2048x768xf32>
    %mul3A_44 = arith.mulf %mul3A_39, %mul3A_43 : vector<2048x768xf32>
    %get3A_45 = arith.constant 0 : index
    %get3A_46 = arith.constant 0 : index
    %get3A_47 = vector.load %arg7[%get3A_45, %get3A_46] : memref<1x768xf32, #tpu.memory_space<vmem>>, vector<1x768xf32>
    %add3A_48 = vector.broadcast %get3A_47 : vector<1x768xf32> to vector<2048x768xf32>
    %add3A_49 = arith.addf %mul3A_44, %add3A_48 : vector<2048x768xf32>
    %swap3A = arith.constant 0 : index
    %swap3A_50 = arith.constant 0 : index
    %swap3A_51 = vector.load %arg8[%swap3A, %swap3A_50] : memref<2048x768xf32, #tpu.memory_space<vmem>>, vector<2048x768xf32>
    tpu.vector_store %arg8[%swap3A, %swap3A_50], %add3A_49 {strides = array<i32>} : memref<2048x768xf32, #tpu.memory_space<vmem>>, vector<2048x768xf32>,
    return
  }
  func.func @transform_0(%arg0: i32, %arg1: i32) -> (i32, i32) {
    %mul3A = arith.constant 1 : i32
    %mul3A_0 = arith.muli %arg1, %mul3A : i32
    %add3A = arith.addi %mul3A_0, %arg0 : i32
    %c0_i32 = arith.constant 0 : i32
    %c0_i32_1 = arith.constant 0 : i32
    return %add3A, %c0_i32 : i32, i32
  }
  func.func @transform_1(%arg0: i32, %arg1: i32) -> (i32, i32) {
    %c0_i32 = arith.constant 0 : i32
    %c0_i32_0 = arith.constant 0 : i32
    return %arg0, %c0_i32 : i32, i32
  }
  func.func @transform_2(%arg0: i32, %arg1: i32) -> (i32, i32) {
    %add3A = arith.constant 0 : i32
    %add3A_0 = arith.addi %add3A, %arg1 : i32
    %mul3A = arith.constant 1 : i32
    %mul3A_1 = arith.muli %add3A_0, %mul3A : i32
    %add3A_2 = arith.addi %mul3A_1, %arg0 : i32
    %c0_i32 = arith.constant 0 : i32
    %c0_i32_3 = arith.constant 0 : i32
    return %add3A_2, %c0_i32 : i32, i32
  }
  func.func @transform_3(%arg0: i32, %arg1: i32) -> (i32, i32) {
    %c0_i32 = arith.constant 0 : i32
    %c0_i32_0 = arith.constant 0 : i32
    %c0_i32_1 = arith.constant 0 : i32
    return %c0_i32, %c0_i32_0 : i32, i32
  }
  func.func @transform_4(%arg0: i32, %arg1: i32) -> (i32, i32) {
    %c0_i32 = arith.constant 0 : i32
    %c0_i32_0 = arith.constant 0 : i32
    %c0_i32_1 = arith.constant 0 : i32
    return %c0_i32, %c0_i32_0 : i32, i32
  }
  func.func @transform_5(%arg0: i32, %arg1: i32) -> (i32, i32) {
    %c0_i32 = arith.constant 0 : i32
    %c0_i32_0 = arith.constant 0 : i32
    %c0_i32_1 = arith.constant 0 : i32
    return %c0_i32, %c0_i32_0 : i32, i32
  }
  func.func @transform_6(%arg0: i32, %arg1: i32) -> (i32, i32) {
    %add3A = arith.constant 0 : i32
    %add3A_0 = arith.addi %add3A, %arg1 : i32
    %mul3A = arith.constant 1 : i32
    %mul3A_1 = arith.muli %add3A_0, %mul3A : i32
    %add3A_2 = arith.addi %mul3A_1, %arg0 : i32
    %c0_i32 = arith.constant 0 : i32
    %c0_i32_3 = arith.constant 0 : i32
    return %add3A_2, %c0_i32 : i32, i32
  }
}

module attributes {stable_mosaic.version = 14 : i64} {
  func.func @_tc_ln_kernel_aliased(%arg0: i32, %arg1: i32, %arg2: memref<2048x768xf32, #tpu.memory_space<vmem>>, %arg3: memref<2048x768xf32, #tpu.memory_space<vmem>>, %arg4: memref<2048x1xf32, #tpu.memory_space<vmem>>, %arg5: memref<8x768xf32, #tpu.memory_space<vmem>>, %arg6: memref<1x768xf32, #tpu.memory_space<vmem>>, %arg7: memref<1x768xf32, #tpu.memory_space<vmem>>, %arg8: memref<8x768xf32, #tpu.memory_space<vmem>>, %arg9: memref<2048x768xf32, #tpu.memory_space<vmem>>) attributes {dimension_semantics = [#tpu.dimension_semantics<arbitrary>, #tpu.dimension_semantics<arbitrary>], iteration_bounds = array<i64: 1, 2>, scalar_prefetch = 0 : i64, scratch_operands = 0 : i64, tpu.core_type = #tpu.core_type<tc>, window_params = [{transform_indices = @transform_0, window_bounds = array<i64: 2048, 768>}, {transform_indices = @transform_1, window_bounds = array<i64: 2048, 768>}, {transform_indices = @transform_2, window_bounds = array<i64: 2048, 1>}, {transform_indices = @transform_3, window_bounds = array<i64: 8, 768>}, {pipeline_mode = #tpu.pipeline_mode<synchronous>, transform_indices = @transform_4, window_bounds = array<i64: 1, 768>}, {pipeline_mode = #tpu.pipeline_mode<synchronous>, transform_indices = @transform_5, window_bounds = array<i64: 1, 768>}, {transform_indices = @transform_6, window_bounds = array<i64: 8, 768>}, {transform_indices = @transform_7, window_bounds = array<i64: 2048, 768>}]} {
    %get3A = arith.constant 0 : index
    %get3A_0 = arith.constant 0 : index
    %get3A_1 = vector.load %arg5[%get3A, %get3A_0] : memref<8x768xf32, #tpu.memory_space<vmem>>, vector<1x768xf32>
    %get3A_2 = vector.shape_cast %get3A_1 : vector<1x768xf32> to vector<768xf32>
    %get3A_3 = arith.constant 1 : index
    %get3A_4 = arith.constant 0 : index
    %get3A_5 = vector.load %arg5[%get3A_3, %get3A_4] : memref<8x768xf32, #tpu.memory_space<vmem>>, vector<1x768xf32>
    %get3A_6 = vector.shape_cast %get3A_5 : vector<1x768xf32> to vector<768xf32>
    %sub3A = arith.subf %get3A_6, %get3A_2 : vector<768xf32>
    %get3A_7 = arith.constant 0 : index
    %get3A_8 = arith.constant 0 : index
    %get3A_9 = vector.load %arg2[%get3A_7, %get3A_8] : memref<2048x768xf32, #tpu.memory_space<vmem>>, vector<2048x768xf32>
    %get3A_10 = arith.constant 0 : index
    %get3A_11 = arith.constant 0 : index
    %get3A_12 = vector.load %arg3[%get3A_10, %get3A_11] : memref<2048x768xf32, #tpu.memory_space<vmem>>, vector<2048x768xf32>
    %add3A = arith.addf %get3A_9, %get3A_12 : vector<2048x768xf32>
    %broadcast_in_dim3A = vector.shape_cast %get3A_2 : vector<768xf32> to vector<1x768xf32>
    %add3A_13 = vector.broadcast %broadcast_in_dim3A : vector<1x768xf32> to vector<2048x768xf32>
    %add3A_14 = arith.addf %add3A, %add3A_13 : vector<2048x768xf32>
    %get3A_15 = arith.constant 0 : index
    %get3A_16 = arith.constant 0 : index
    %get3A_17 = vector.load %arg4[%get3A_15, %get3A_16] : memref<2048x1xf32, #tpu.memory_space<vmem>>, vector<2048x1xf32>
    %broadcast_in_dim3A_18 = vector.shape_cast %sub3A : vector<768xf32> to vector<1x768xf32>
    %mul3A = vector.broadcast %get3A_17 : vector<2048x1xf32> to vector<2048x768xf32>
    %mul3A_19 = vector.broadcast %broadcast_in_dim3A_18 : vector<1x768xf32> to vector<2048x768xf32>
    %mul3A_20 = arith.mulf %mul3A, %mul3A_19 : vector<2048x768xf32>
    %add3A_21 = arith.addf %add3A_14, %mul3A_20 : vector<2048x768xf32>
    %reduce_sum3A = arith.constant dense<0.000000e+00> : vector<2048xf32>
    %reduce_sum3A_22 = vector.multi_reduction <add>, %add3A_21, %reduce_sum3A [1] : vector<2048x768xf32> to vector<2048xf32>
    %broadcast_in_dim3A_23 = vector.shape_cast %reduce_sum3A_22 : vector<2048xf32> to vector<2048x1xf32>
    %div3A = arith.constant 7.680000e+02 : f32
    %div3A_24 = vector.broadcast %div3A : f32 to vector<2048x1xf32>
    %div3A_25 = arith.divf %broadcast_in_dim3A_23, %div3A_24 : vector<2048x1xf32>
    %sub3A_26 = vector.broadcast %div3A_25 : vector<2048x1xf32> to vector<2048x768xf32>
    %sub3A_27 = arith.subf %add3A_21, %sub3A_26 : vector<2048x768xf32>
    %mul3A_28 = arith.mulf %sub3A_27, %sub3A_27 : vector<2048x768xf32>
    %reduce_sum3A_29 = arith.constant dense<0.000000e+00> : vector<2048xf32>
    %reduce_sum3A_30 = vector.multi_reduction <add>, %mul3A_28, %reduce_sum3A_29 [1] : vector<2048x768xf32> to vector<2048xf32>
    %broadcast_in_dim3A_31 = vector.shape_cast %reduce_sum3A_30 : vector<2048xf32> to vector<2048x1xf32>
    %div3A_32 = arith.constant 7.680000e+02 : f32
    %div3A_33 = vector.broadcast %div3A_32 : f32 to vector<2048x1xf32>
    %div3A_34 = arith.divf %broadcast_in_dim3A_31, %div3A_33 : vector<2048x1xf32>
    %add3A_35 = arith.constant 9.99999974E-6 : f32
    %add3A_36 = vector.broadcast %add3A_35 : f32 to vector<2048x1xf32>
    %add3A_37 = arith.addf %div3A_34, %add3A_36 : vector<2048x1xf32>
    %rsqrt3A = math.rsqrt %add3A_37 : vector<2048x1xf32>
    %mul3A_38 = vector.broadcast %rsqrt3A : vector<2048x1xf32> to vector<2048x768xf32>
    %mul3A_39 = arith.mulf %sub3A_27, %mul3A_38 : vector<2048x768xf32>
    %get3A_40 = arith.constant 0 : index
    %get3A_41 = arith.constant 0 : index
    %get3A_42 = vector.load %arg6[%get3A_40, %get3A_41] : memref<1x768xf32, #tpu.memory_space<vmem>>, vector<1x768xf32>
    %mul3A_43 = vector.broadcast %get3A_42 : vector<1x768xf32> to vector<2048x768xf32>
    %mul3A_44 = arith.mulf %mul3A_39, %mul3A_43 : vector<2048x768xf32>
    %get3A_45 = arith.constant 0 : index
    %get3A_46 = arith.constant 0 : index
    %get3A_47 = vector.load %arg7[%get3A_45, %get3A_46] : memref<1x768xf32, #tpu.memory_space<vmem>>, vector<1x768xf32>
    %add3A_48 = vector.broadcast %get3A_47 : vector<1x768xf32> to vector<2048x768xf32>
    %add3A_49 = arith.addf %mul3A_44, %add3A_48 : vector<2048x768xf32>
    %swap3A = arith.constant 0 : index
    %swap3A_50 = arith.constant 0 : index
    %swap3A_51 = vector.load %arg9[%swap3A, %swap3A_50] : memref<2048x768xf32, #tpu.memory_space<vmem>>, vector<2048x768xf32>
    tpu.vector_store %arg9[%swap3A, %swap3A_50], %add3A_49 {strides = array<i32>} : memref<2048x768xf32, #tpu.memory_space<vmem>>, vector<2048x768xf32>,
    return
  }
  func.func @transform_0(%arg0: i32, %arg1: i32) -> (i32, i32) {
    %mul3A = arith.constant 1 : i32
    %mul3A_0 = arith.muli %arg1, %mul3A : i32
    %add3A = arith.addi %mul3A_0, %arg0 : i32
    %c0_i32 = arith.constant 0 : i32
    %c0_i32_1 = arith.constant 0 : i32
    return %add3A, %c0_i32 : i32, i32
  }
  func.func @transform_1(%arg0: i32, %arg1: i32) -> (i32, i32) {
    %c0_i32 = arith.constant 0 : i32
    %c0_i32_0 = arith.constant 0 : i32
    return %arg0, %c0_i32 : i32, i32
  }
  func.func @transform_2(%arg0: i32, %arg1: i32) -> (i32, i32) {
    %add3A = arith.constant 2 : i32
    %add3A_0 = arith.addi %add3A, %arg1 : i32
    %mul3A = arith.constant 1 : i32
    %mul3A_1 = arith.muli %add3A_0, %mul3A : i32
    %add3A_2 = arith.addi %mul3A_1, %arg0 : i32
    %c0_i32 = arith.constant 0 : i32
    %c0_i32_3 = arith.constant 0 : i32
    return %add3A_2, %c0_i32 : i32, i32
  }
  func.func @transform_3(%arg0: i32, %arg1: i32) -> (i32, i32) {
    %c0_i32 = arith.constant 0 : i32
    %c0_i32_0 = arith.constant 0 : i32
    %c0_i32_1 = arith.constant 0 : i32
    return %c0_i32, %c0_i32_0 : i32, i32
  }
  func.func @transform_4(%arg0: i32, %arg1: i32) -> (i32, i32) {
    %c0_i32 = arith.constant 0 : i32
    %c0_i32_0 = arith.constant 0 : i32
    %c0_i32_1 = arith.constant 0 : i32
    return %c0_i32, %c0_i32_0 : i32, i32
  }
  func.func @transform_5(%arg0: i32, %arg1: i32) -> (i32, i32) {
    %c0_i32 = arith.constant 0 : i32
    %c0_i32_0 = arith.constant 0 : i32
    %c0_i32_1 = arith.constant 0 : i32
    return %c0_i32, %c0_i32_0 : i32, i32
  }
  func.func @transform_6(%arg0: i32, %arg1: i32) -> (i32, i32) {
    %c0_i32 = arith.constant 0 : i32
    %c0_i32_0 = arith.constant 0 : i32
    %c0_i32_1 = arith.constant 0 : i32
    return %c0_i32, %c0_i32_0 : i32, i32
  }
  func.func @transform_7(%arg0: i32, %arg1: i32) -> (i32, i32) {
    %add3A = arith.constant 2 : i32
    %add3A_0 = arith.addi %add3A, %arg1 : i32
    %mul3A = arith.constant 1 : i32
    %mul3A_1 = arith.muli %add3A_0, %mul3A : i32
    %add3A_2 = arith.addi %mul3A_1, %arg0 : i32
    %c0_i32 = arith.constant 0 : i32
    %c0_i32_3 = arith.constant 0 : i32
    return %add3A_2, %c0_i32 : i32, i32
  }
}

</mosaic_0001>

<sc_bundles>
// kernel: _run.6.cloned.1.call-start
scs
__scs_entry_jumppad:
0x0: {  	(pc) =	sbr.rel $0x88, $3  }
0x1: {  	(tag) =	ssettag $0x0;
	lr =	simm.s32 $0x1  }
0x2: {  	[smem:$0x3F9B] =	sst lr;
	_ =	strace $0xD0000000  }
0x3: {  	_ = 	snop  }
0x4: {  	_ = 	snop  }
0x5: {  	_ = 	snop  }
0x6: {  	_ = 	snop  }
0x7: {  	_ = 	snop  }
__scs_overlays_trampoline_lowered:
0x8: {  	[smem:$0x3FAA] =	sst s0  }
0x9: {  	[smem:$0x3FAB] =	sst s1  }
0xa: {  	[smem:$0x3FAC] =	sst s2  }
0xb: {  	[smem:$0x3FAD] =	sst s3  }
0xc: {  	[smem:$0x3FAE] =	sst s4  }
0xd: {  	[smem:$0x3FAF] =	sst s5  }
0xe: {  	[smem:$0x3FB0] =	sst s6  }
0xf: {  	[smem:$0x3FB1] =	sst s7  }
0x10: {  	[smem:$0x3FB2] =	sst s8  }
0x11: {  	[smem:$0x3FB3] =	sst s9;
	s0 =	simm.s32 @!p0 $0x0  }
0x12: {  	s1 =	sld [smem:$0x3F99];
	s0 =	simm.s32 @p0 $0x1  }
0x13: {  	[smem:$0x3FB4] =	sst s0;
	s0 =	simm.s32 @!p1 $0x0  }
0x14: {  	s2 =	sld [smem:$0x3F98];
	s0 =	simm.s32 @p1 $0x1  }
0x15: {  	[smem:$0x3FB5] =	sst s0;
	s0 =	simm.s32 @!p2 $0x0  }
0x16: {  	s3 =	sld [smem:$0x3FDB];
	s0 =	simm.s32 @p2 $0x1  }
0x17: {  	s4 =	simm.s32 $0x1BF5;
	[smem:$0x3FB7] =	sst s0  }
0x18: {  	s0 =	sld [smem:$0x3F9A];
	_ =	swait.ge [sflag:s4], $0x0  }
0x19: {  	s7 =	sld [smem:$0x3F9B]  }
0x1a: {  	s8 =	sadd.s32 $0xFFFFE003, lr  }
0x1b: {  	s9 =	sadd.s32 $0xFFFFFEF7, lr;
	s5 =	simm.s32 $0xFFFFFFFF;
	p2 =	slt.u32 s8, $0xFFFFF086  }
0x1c: {  	p1 =	slt.u32 s9, $0xF7A;
	s5 =	simm.s32 @!p2 $0x0  }
0x1d: {  	s5 =	simm.s32 @p1 $0x1;
	p0 =	seq.s32 s7, s2  }
0x1e: {  	s7 =	smul.u32 @!p0 $0xF7A, s2;
	p2 =	seq.s32 @!p0 s5, $0x0  }
0x1f: {  	s9 =	smul.u32 $0xF7A, s1;
	s8 =	simm.s32 @!p0 $0x1BF5;
	p2 =	por !p2, p0  }
0x20: {  	[sflag:s8] =	ssyncset.s32 @!p0 $0xFFFFF086;
	s6 =	sadd.s32 @!p0 s3, s7;
	s7 =	simm.s32 @!p0 $0x108  }
0x21: {  	s3 =	sadd.s32 s3, s9;
	s6 =	sadd.s32 @!p0 $0x88, s6;
	s7 =	simm.s32 @p2 $0x1082  }
0x22: {  	[simem:s7], [sflag:s8] =	dma.local @!p0 [hbm:s6], $0xF7A  }
0x23: {  	s9 =	sor.u32 $0xD0000000, s2;
	s6 =	simm.s32 $0x108;
	_ =	swait.ge @!p0 [sflag:s8], $0x0  }
0x24: {  	s3 =	sadd.s32 $0x88, s3;
	s6 =	simm.s32 @!p1 $0x1082;
	[sflag:s4] =	ssyncset.s32 $0xFFFFF086  }
0x25: {  	[simem:s6], [sflag:s4] =	dma.local [hbm:s3], $0xF7A  }
0x26: {  	[smem:$0x3F9B] =	sst s1;
	(tag) =	ssettag s2;
	_ =	strace s9  }
0x27: {  	s1 =	sld [smem:$0x3FAB]  }
0x28: {  	s2 =	sld [smem:$0x3FAC]  }
0x29: {  	s4 =	sld [smem:$0x3FAE]  }
0x2a: {  	p0 =	seq.s32 s5, $0x0;
	s5 =	sld [smem:$0x3FAF]  }
0x2b: {  	s6 =	sld [smem:$0x3FB0]  }
0x2c: {  	s7 =	sld [smem:$0x3FB1]  }
0x2d: {  	s3 =	simm.s32 $0x108;
	s8 =	sld [smem:$0x3FB2]  }
0x2e: {  	s3 =	simm.s32 @!p0 $0x1082;
	s9 =	sld [smem:$0x3FB3]  }
0x2f: {  	lr =	sadd.s32 s0, s3;
	s0 =	sld [smem:$0x3FAA]  }
0x30: {  	s3 =	sld [smem:$0x3FAD]  }
0x31: {  	[smem:$0x3FB6] =	sst s10  }
0x32: {  	s10 =	sld [smem:$0x3FB4];
	_ =	sdelay $0x3  }
0x33: {  	p0 =	seq.s32 s10, $0x1;
	s10 =	sld [smem:$0x3FB6];
	_ =	sdelay $0x3  }
0x34: {  	[smem:$0x3FB6] =	sst s10  }
0x35: {  	s10 =	sld [smem:$0x3FB5];
	_ =	sdelay $0x3  }
0x36: {  	p1 =	seq.s32 s10, $0x1;
	s10 =	sld [smem:$0x3FB6];
	_ =	sdelay $0x3  }
0x37: {  	[smem:$0x3FB6] =	sst s10  }
0x38: {  	s10 =	sld [smem:$0x3FB7]  }
0x39: {  	_ = 	snop;
	(pc) =	sbr.ind lr, $3  }
0x3a: {  	_ = 	snop  }
0x3b: {  	_ = 	snop  }
0x3c: {  	p2 =	seq.s32 s10, $0x1;
	s10 =	sld [smem:$0x3FB6]  }
0x3d: {  	_ =	shalt  }
0x3e: {  	_ =	shalt  }
0x3f: {  	_ =	shalt  }
0x40: {  	_ =	shalt  }
0x41: {  	_ =	shalt  }
0x42: {  	_ =	shalt  }
0x43: {  	_ =	shalt  }
0x44: {  	_ =	shalt  }
0x45: {  	_ =	shalt  }
0x46: {  	_ =	shalt  }
0x47: {  	_ =	shalt  }
0x48: {  	_ =	shalt  }
0x49: {  	_ =	shalt  }
0x4a: {  	_ =	shalt  }
0x4b: {  	_ =	shalt  }
0x4c: {  	_ =	shalt  }
0x4d: {  	_ =	shalt  }
0x4e: {  	_ =	shalt  }
0x4f: {  	_ =	shalt  }
0x50: {  	_ =	shalt  }
0x51: {  	_ =	shalt  }
0x52: {  	_ =	shalt  }
0x53: {  	_ =	shalt  }
0x54: {  	_ =	shalt  }
0x55: {  	_ =	shalt  }
0x56: {  	_ =	shalt  }
0x57: {  	_ =	shalt  }
0x58: {  	_ =	shalt  }
0x59: {  	_ =	shalt  }
0x5a: {  	_ =	shalt  }
0x5b: {  	_ =	shalt  }
0x5c: {  	_ =	shalt  }
0x5d: {  	_ =	shalt  }
0x5e: {  	_ =	shalt  }
0x5f: {  	_ =	shalt  }
0x60: {  	_ =	shalt  }
0x61: {  	_ =	shalt  }
0x62: {  	_ =	shalt  }
0x63: {  	_ =	shalt  }
0x64: {  	_ =	shalt  }
0x65: {  	_ =	shalt  }
0x66: {  	_ =	shalt  }
0x67: {  	_ =	shalt  }
0x68: {  	_ =	shalt  }
0x69: {  	_ =	shalt  }
0x6a: {  	_ =	shalt  }
0x6b: {  	_ =	shalt  }
0x6c: {  	_ =	shalt  }
0x6d: {  	_ =	shalt  }
0x6e: {  	_ =	shalt  }
0x6f: {  	_ =	shalt  }
0x70: {  	_ =	shalt  }
0x71: {  	_ =	shalt  }
0x72: {  	_ =	shalt  }
0x73: {  	_ =	shalt  }
0x74: {  	_ =	shalt  }
0x75: {  	_ =	shalt  }
0x76: {  	_ =	shalt  }
0x77: {  	_ =	shalt  }
0x78: {  	_ =	shalt  }
0x79: {  	_ =	shalt  }
0x7a: {  	_ =	shalt  }
0x7b: {  	_ =	shalt  }
0x7c: {  	_ =	shalt  }
0x7d: {  	_ =	shalt  }
0x7e: {  	_ =	shalt  }
0x7f: {  	_ =	shalt  }
0x80: {  	_ =	shalt  }
0x81: {  	_ =	shalt  }
0x82: {  	_ =	shalt  }
0x83: {  	_ =	shalt  }
0x84: {  	_ =	shalt  }
0x85: {  	_ =	shalt  }
0x86: {  	_ =	shalt  }
0x87: {  	_ =	shalt  }
.Lfunc_end0:
.L_simem_size_0:
called_computation_lowered:
.L_overlay_start_0:
0x88: {  	s2 =	sld [smem:$0x3FD9]  }
0x89: {  	s3 =	sld [smem:$0x3FFE];
	_ =	sdelay $0x1  }
0x8a: {  	s1 =	srdreg.scid  }
0x8b: {  	s0 =	sand.u32 $0x1, s1  }
0x8c: {  	s17 =	sshll.u32 s0, $0xA;
	s2 =	sadd.s32 s3, s2  }
0x8d: {  	s2 =	sadd.s32 s2, s17  }
0x8e: {  	[smem:$0x3FC2] =	sst s2  }
0x8f: {  	_ = 	snop  }
0x90: {  	s2 =	sld [smem:$0x3FC9]  }
0x91: {  	s18 =	sld [smem:$0x3FC7];
	(tm) =	ssettm $0x1  }
0x92: {  	s4 =	sld [smem:$0x3FFB];
	_ =	sdelay $0x3  }
0x93: {  	_ =	strace s4  }
0x94: {  	s4 =	sld [smem:$0x3FFC];
	_ =	sdelay $0x3  }
0x95: {  	_ =	strace s4  }
0x96: {  	s4 =	sld [smem:$0x3FFD];
	_ =	sdelay $0x3  }
0x97: {  	_ =	strace s4  }
0x98: {  	_ =	strace $0x8FFFFFFF  }
0x99: {  	s19 =	sld [smem:$0x3FDB];
	_ =	sdelay $0x1  }
0x9a: {  	s5 =	simm.s32 $_scs_section_size  }
0x9b: {  	s6 =	simm.s32 $_size__tile_overlayer_lowered;
	s7 =	simm.s32 $_tile_overlayer_lowered  }
0x9c: {  	s22 =	simm.s32 $0x1BFF;
	s21 =	sshll.u32 s7, $0x1;
	s4 =	sadd.s32 s5, s19  }
0x9d: {  	s8 =	simm.s32 $0x0;
	s20 =	sshll.u32 s6, $0x1;
	s6 =	sadd.s32 s21, s4  }
0x9e: {  	[timem:s8], [sflag:s22] =	dma.local [hbm:s6], s20  }
0x9f: {  	_ =	swait.ge [sflag:s22], s20  }
0xa0: {  	s5 =	ssub.s32 $0x0, s20;
	[sflag:s22] =	ssyncset.done $0x0  }
0xa1: {  	[sflag:s22] =	ssyncadd.s32 s5;
	_ =	sdelay $0x1  }
0xa2: {  	s23 =	simm.s32 $0x1B8B  }
0xa3: {  	_ =	swait.ge [sflag:s23], $0x1  }
0xa4: {  	[sflag:s23] =	ssyncset.done $0x0  }
0xa5: {  	s25 =	simm.s32 $0x1B8E;
	s24 =	sld [smem:$0x3FFE];
	[sflag:s23] =	ssyncadd.s32 $0xFFFFFFFF  }
0xa6: {  	s26 =	simm.s32 $execute0_lowered;
	[smem:$0x3FD2] =	sst s25  }
0xa7: {  	s6 =	sshll.u32 s26, $0x1;
	_ =	strace $0x80000046;
	[dreg:$0x1] =	wrdreg $0xFFFFFFFF  }
0xa8: {  	s28 =	simm.s32 $_size_execute0_lowered;
	s4 =	sadd.s32 s4, s6;
	[dreg:$0x0] =	wrdreg $0x0  }
0xa9: {  	s6 =	sshll.u32 s28, $0x1;
	[dreg:$0x2] =	wrdreg s4  }
0xaa: {  	[dreg:$0x3] =	wrdreg s6  }
0xab: {  	[dreg:$0x4] =	wrdreg $0xC0  }
0xac: {  	_ =	task [dreg:s8], $0x5FFFF  }
0xad: {  	[dreg:$0x1] =	wrdreg $0xFFFFFFFF  }
0xae: {  	[dreg:$0x0] =	wrdreg $0x60  }
0xaf: {  	[dreg:$0x2] =	wrdreg s18  }
0xb0: {  	[dreg:$0x3] =	wrdreg s2  }
0xb1: {  	[dreg:$0x4] =	wrdreg s24  }
0xb2: {  	[dreg:$0x5] =	wrdreg $0x9  }
0xb3: {  	_ =	task.clear_ibuf [dreg:s8], $0x6FFFF;
	_ =	strace $0x90000046  }
0xb4: {  	s29 =	simm.s32 $0x9;
	_ =	strace $0x80000048  }
0xb5: {  	_ =	swait.ge [sflag:s29], $0x1  }
0xb6: {  	[sflag:s29] =	ssyncadd.s32 $0xFFFFFFFF  }
0xb7: {  	_ =	strace $0x90000048  }
0xb8: {  	_ =	sfence  }
0xb9: {  	s30 =	sld [smem:$0x0];
	_ =	sdelay $0x2  }
0xba: {  	s31 =	sshll.u32 s1, $0xD;
	s1 =	sshrl.u32 s1, $0x2  }
0xbb: {  	s3 =	sand.u32 $0x4000, s31;
	s1 =	sadd.s32 s1, s30  }
0xbc: {  	s0 =	sor.u32 s3, s0;
	s1 =	sshll.u32 s1, $0x11  }
0xbd: {  	s0 =	sor.u32 s1, s0  }
0xbe: {  	s0 =	sadd.s32 $0x8F2B, s0  }
0xbf: {  	[sflag:s0] =	ssyncadd.remote.s32 $0x1  }
0xc0: {  	_ =	sfence.sel $0xFFFF  }
0xc1: {  	[dreg:$0x0] =	wrdreg $0xFFFFFFFF;
	(pc) =	sbr.abs _section_cstart, $3  }
0xc2: {  	[dreg:$0x1] =	wrdreg $0xFFFFFFFF  }
0xc3: {  	_ =	task.clear_ibuf [dreg:s8], $0x2FFFF;
	_ =	strace $0x9FFFFFFF  }
0xc4: {  	(tm) =	ssettm $0x7FFFFFFF  }
0xc5: {  	_ =	shalt  }
tec
execute0_lowered:
.L_overlay_start_1:
0x0: {  	(tag) =	ssettag $0x1  }
0x1: {  	s1 =	srdreg.scid  }
0x2: {  	s0 =	stileid.u32;
	s14 =	rddreg [dreg:$0x1];
	s2 =	sand.u32 $0x1, s1  }
0x3: {  	s7 =	rddreg [dreg:$0x2];
	s3 =	sshll.u32 s0, $0x8;
	s4 =	sshll.u32 s2, $0x7  }
0x4: {  	s1 =	rddreg [dreg:$0x0];
	s3 =	sor.u32 s4, s3  }
0x5: {  	s5 =	sshll.u32 s3, $0x2;
	s15 =	sshrl.u32 s3, $0x3;
	s3 =	simm.s32 $0x0  }
0x6: {  	s19 =	simm.s32 $0x900;
	[smem:$0x7FF] =	sst s3  }
0x7: {  	s20 =	simm.s32 $0x1100;
	_ =	strace $0x80000047;
	[dreg:$0x7] =	wrdreg s19  }
0x8: {  	s21 =	simm.s32 $0x1900;
	[dreg:$0x8] =	wrdreg s20  }
0x9: {  	s22 =	simm.s32 $0x2100;
	[dreg:$0x9] =	wrdreg s21  }
0xa: {  	s23 =	simm.s32 $0x2900;
	[dreg:$0xa] =	wrdreg s22  }
0xb: {  	s24 =	simm.s32 $0x3100;
	[dreg:$0xb] =	wrdreg s23  }
0xc: {  	s25 =	simm.s32 $0x3900;
	[dreg:$0xc] =	wrdreg s24  }
0xd: {  	s26 =	simm.s32 $0x4100;
	[dreg:$0xd] =	wrdreg s25  }
0xe: {  	s6 =	sshll.u32 s0, $0x4;
	s0 =	simm.s32 $0x4900;
	[dreg:$0xe] =	wrdreg s26  }
0xf: {  	s8 =	simm.s32 $0x6100;
	[dreg:$0xf] =	wrdreg s0  }
0x10: {  	s9 =	simm.s32 $0x6900;
	s10 =	simm.s32 $0x7100;
	[dreg:$0x12] =	wrdreg s8  }
0x11: {  	s11 =	simm.s32 $0x7900;
	s12 =	simm.s32 $0x8100;
	[dreg:$0x13] =	wrdreg s9  }
0x12: {  	s13 =	simm.s32 $0x8900;
	s28 =	simm.s32 $0x17900;
	[dreg:$0x14] =	wrdreg s10  }
0x13: {  	s29 =	simm.s32 $0x1;
	s30 =	simm.s32 $0x2;
	[dreg:$0x15] =	wrdreg s11  }
0x14: {  	s31 =	simm.s32 $0x3;
	s5 =	sor.u32 s6, s5;
	[dreg:$0x16] =	wrdreg s12  }
0x15: {  	s6 =	smul.u32 $0x300, s15;
	s15 =	simm.s32 $0x9900;
	[dreg:$0x17] =	wrdreg s13  }
0x16: {  	s2 =	ssub.s32 $0x2, s2;
	s5 =	sand.u32 $0x1E80, s5;
	[dreg:$0x19] =	wrdreg s15  }
0x17: {  	s19 =	simm.s32 $0xB900;
	s20 =	simm.s32 $0x80;
	s21 =	sshrl.u32 s2, $0x1  }
0x18: {  	s22 =	simm.s32 $0xC900;
	s23 =	simm.s32 $0xD100;
	[dreg:$0x1d] =	wrdreg s19  }
0x19: {  	s24 =	simm.s32 $0xD900;
	s8 =	simm.s32 $0xE100;
	[dreg:$0x1e] =	wrdreg s20  }
0x1a: {  	s25 =	simm.s32 $0xE900;
	s26 =	simm.s32 $0xF100;
	[dreg:$0x1f] =	wrdreg s22  }
0x1b: {  	s9 =	simm.s32 $0x100;
	s10 =	simm.s32 $0xC100;
	[smem:$0x7F9] =	sst s23  }
0x1c: {  	s13 =	simm.s32 $0x10900;
	s15 =	simm.s32 $0x11900;
	[smem:$0x7FA] =	sst s24  }
0x1d: {  	s5 =	sshrl.u32 s5, $0x3;
	s16 =	sadd.s32 s6, s7;
	[smem:$0x7FB] =	sst s8  }
0x1e: {  	s6 =	simm.s32 $0x5100;
	s7 =	simm.s32 $0x5900;
	[smem:$0x7FC] =	sst s25  }
0x1f: {  	s2 =	ssub.s32 s2, s21;
	s8 =	simm.s32 $0x5;
	[smem:$0x7FD] =	sst s26  }
0x20: {  	s19 =	simm.s32 $0x13900;
	s20 =	simm.s32 $0x14100;
	s21 =	simm.s32 $0x14900  }
0x21: {  	s22 =	simm.s32 $0x15100;
	s23 =	simm.s32 $0x15900;
	s24 =	simm.s32 $0x16100  }
0x22: {  	s25 =	simm.s32 $0x16900;
	s26 =	simm.s32 $0x17100;
	[dreg:$0x10] =	wrdreg s6  }
0x23: {  	s4 =	sadd.s32 s14, s5;
	s18 =	sadd.s32 $0x1000, s16;
	[dreg:$0x11] =	wrdreg s7  }
0x24: {  	s5 =	sadd.s32 $0x2800, s16;
	s14 =	simm.s32 $0x9100;
	[dreg:$0x5] =	wrdreg s18  }
0x25: {  	s16 =	simm.s32 $0xA100;
	s6 =	sadd.s32 $0x200, s1;
	[dreg:$0x6] =	wrdreg s5  }
0x26: {  	s7 =	smax.u32 s2, $0x1;
	s2 =	simm.s32 $0x4;
	[dreg:$0x18] =	wrdreg s14  }
0x27: {  	s17 =	sadd.s32 $0x8, s4;
	[dreg:$0x1a] =	wrdreg s16;
	s18 =	simm.s32 $0xB100  }
0x28: {  	v2 =	vlaneseq.u32;
	s5 =	sadd.s32 $0x100, s1;
	s14 =	simm.s32 $0x11100;
	[dreg:$0x4] =	wrdreg s17  }
0x29: {  	vm0 =	vmmov $0xffff;
	v1 =	vshrl.u32 v2, $0x3;
	s16 =	simm.s32 $0x12100;
	s17 =	simm.s32 $0xA900;
	[dreg:$0x1c] =	wrdreg s18  }
0x2a: {  	v0 =	vand.u32 $0x7, v2;
	v2 =	vor.u32 $0x8, v2;
	v1 =	vmul.u32 $0x8, v1;
	s18 =	simm.s32 $0x13100;
	[dreg:$0x1b] =	wrdreg s17;
	s17 =	simm.s32 $0x12900  }
.LBB2_1:
0x2b: {  	[tilespmem:s3], [sflag:$0x5] =	stream.linear.gather [hbm4b:s4+s3], $0x40, $0x38;
	[tilespmem:$0x18100] =	vst v63  }
0x2c: {  	_ =	swait.ge [sflag:s8], $0x40  }
0x2d: {  	[sflag:s8] =	ssyncset.done $0x0  }
0x2e: {  	[sflag:s8] =	ssyncadd.s32 $0xFFFFFFC0  }
0x2f: {  	v3 =	vld [tilespmem:$0x0];
	_ =	sdelay $0x4  }
0x30: {  	v4 =	vshrl.u32 v3, $0x3  }
0x31: {  	v4 =	vmul.u32 $0x30, v4  }
0x32: {  	v3 =	vand.u32 $0x7, v3  }
0x33: {  	v3 =	vor.u32 v3, v4  }
0x34: {  	v4 =	vperm.xlane v3, v0;
	_ =	sdelay $0x1  }
0x35: {  	v4 =	vadd.s32 v1, v4;
	_ =	sdelay $0x3  }
0x36: {  	v3 =	vperm.xlane v3, v2  }
0x37: {  	[tilespmem:s9], [sflag:$0x1] =	stream.indirect_vreg.gather [hbm4b:s1+s3], $0x80, v4, vm0, $0xb8;
	[tilespmem:$0x18100] =	vst v63  }
0x38: {  	s0 =	rddreg [dreg:$0x7];
	v3 =	vadd.s32 v1, v3  }
0x39: {  	[tilespmem:s0], [sflag:$0x1] =	stream.indirect_vreg.gather [hbm4b:s5+s3], $0x80, v4, vm0, $0xb8;
	[tilespmem:$0x18100] =	vst v63  }
0x3a: {  	s11 =	rddreg [dreg:$0x8]  }
0x3b: {  	[tilespmem:s11], [sflag:$0x1] =	stream.indirect_vreg.gather [hbm4b:s6+s3], $0x80, v4, vm0, $0xb8;
	[tilespmem:$0x18100] =	vst v63  }
0x3c: {  	s12 =	rddreg [dreg:$0x9]  }
0x3d: {  	[tilespmem:s12], [sflag:$0x1] =	stream.indirect_vreg.gather [hbm4b:s1+s3], $0x80, v3, vm0, $0xb8;
	[tilespmem:$0x18100] =	vst v63  }
0x3e: {  	s11 =	rddreg [dreg:$0xa]  }
0x3f: {  	[tilespmem:s11], [sflag:$0x1] =	stream.indirect_vreg.gather [hbm4b:s5+s3], $0x80, v3, vm0, $0xb8;
	[tilespmem:$0x18100] =	vst v63  }
0x40: {  	s12 =	rddreg [dreg:$0xb]  }
0x41: {  	[tilespmem:s12], [sflag:$0x1] =	stream.indirect_vreg.gather [hbm4b:s6+s3], $0x80, v3, vm0, $0xb8;
	[tilespmem:$0x18100] =	vst v63  }
0x42: {  	v3 =	vld [tilespmem:$0x10];
	_ =	sdelay $0x4  }
0x43: {  	v57 =	vshrl.u32 v3, $0x3  }
0x44: {  	v4 =	vmul.u32 $0x30, v57  }
0x45: {  	v3 =	vand.u32 $0x7, v3  }
0x46: {  	v3 =	vor.u32 v3, v4  }
0x47: {  	v4 =	vperm.xlane v3, v0;
	_ =	sdelay $0x1  }
0x48: {  	v4 =	vadd.s32 v1, v4;
	_ =	sdelay $0x3  }
0x49: {  	s11 =	rddreg [dreg:$0xc];
	v3 =	vperm.xlane v3, v2  }
0x4a: {  	[tilespmem:s11], [sflag:$0x1] =	stream.indirect_vreg.gather [hbm4b:s1+s3], $0x80, v4, vm0, $0xb8;
	[tilespmem:$0x18100] =	vst v63  }
0x4b: {  	s12 =	rddreg [dreg:$0xd];
	v3 =	vadd.s32 v1, v3  }
0x4c: {  	[tilespmem:s12], [sflag:$0x1] =	stream.indirect_vreg.gather [hbm4b:s5+s3], $0x80, v4, vm0, $0xb8;
	[tilespmem:$0x18100] =	vst v63  }
0x4d: {  	s0 =	rddreg [dreg:$0xe]  }
0x4e: {  	[tilespmem:s0], [sflag:$0x1] =	stream.indirect_vreg.gather [hbm4b:s6+s3], $0x80, v4, vm0, $0xb8;
	[tilespmem:$0x18100] =	vst v63  }
0x4f: {  	s12 =	rddreg [dreg:$0xf]  }
0x50: {  	[tilespmem:s12], [sflag:$0x1] =	stream.indirect_vreg.gather [hbm4b:s1+s3], $0x80, v3, vm0, $0xb8;
	[tilespmem:$0x18100] =	vst v63  }
0x51: {  	s0 =	rddreg [dreg:$0x10]  }
0x52: {  	[tilespmem:s0], [sflag:$0x1] =	stream.indirect_vreg.gather [hbm4b:s5+s3], $0x80, v3, vm0, $0xb8;
	[tilespmem:$0x18100] =	vst v63  }
0x53: {  	s12 =	rddreg [dreg:$0x11]  }
0x54: {  	[tilespmem:s12], [sflag:$0x1] =	stream.indirect_vreg.gather [hbm4b:s6+s3], $0x80, v3, vm0, $0xb8;
	[tilespmem:$0x18100] =	vst v63  }
0x55: {  	v3 =	vld [tilespmem:$0x20];
	_ =	sdelay $0x4  }
0x56: {  	v58 =	vshrl.u32 v3, $0x3  }
0x57: {  	v4 =	vmul.u32 $0x30, v58  }
0x58: {  	v3 =	vand.u32 $0x7, v3  }
0x59: {  	v3 =	vor.u32 v3, v4  }
0x5a: {  	v4 =	vperm.xlane v3, v0;
	_ =	sdelay $0x1  }
0x5b: {  	v4 =	vadd.s32 v1, v4;
	_ =	sdelay $0x3  }
0x5c: {  	s11 =	rddreg [dreg:$0x12];
	v3 =	vperm.xlane v3, v2  }
0x5d: {  	[tilespmem:s11], [sflag:$0x1] =	stream.indirect_vreg.gather [hbm4b:s1+s3], $0x80, v4, vm0, $0xb8;
	[tilespmem:$0x18100] =	vst v63  }
0x5e: {  	s12 =	rddreg [dreg:$0x13];
	v3 =	vadd.s32 v1, v3  }
0x5f: {  	[tilespmem:s12], [sflag:$0x1] =	stream.indirect_vreg.gather [hbm4b:s5+s3], $0x80, v4, vm0, $0xb8;
	[tilespmem:$0x18100] =	vst v63  }
0x60: {  	s0 =	rddreg [dreg:$0x14]  }
0x61: {  	[tilespmem:s0], [sflag:$0x1] =	stream.indirect_vreg.gather [hbm4b:s6+s3], $0x80, v4, vm0, $0xb8;
	[tilespmem:$0x18100] =	vst v63  }
0x62: {  	s12 =	rddreg [dreg:$0x15]  }
0x63: {  	[tilespmem:s12], [sflag:$0x1] =	stream.indirect_vreg.gather [hbm4b:s1+s3], $0x80, v3, vm0, $0xb8;
	[tilespmem:$0x18100] =	vst v63  }
0x64: {  	s0 =	rddreg [dreg:$0x16]  }
0x65: {  	[tilespmem:s0], [sflag:$0x1] =	stream.indirect_vreg.gather [hbm4b:s5+s3], $0x80, v3, vm0, $0xb8;
	[tilespmem:$0x18100] =	vst v63  }
0x66: {  	s12 =	rddreg [dreg:$0x17]  }
0x67: {  	[tilespmem:s12], [sflag:$0x1] =	stream.indirect_vreg.gather [hbm4b:s6+s3], $0x80, v3, vm0, $0xb8;
	[tilespmem:$0x18100] =	vst v63  }
0x68: {  	v3 =	vld [tilespmem:$0x30];
	_ =	sdelay $0x4  }
0x69: {  	v59 =	vshrl.u32 v3, $0x3  }
0x6a: {  	v4 =	vmul.u32 $0x30, v59  }
0x6b: {  	v3 =	vand.u32 $0x7, v3  }
0x6c: {  	v3 =	vor.u32 v3, v4  }
0x6d: {  	v4 =	vperm.xlane v3, v0;
	_ =	sdelay $0x1  }
0x6e: {  	v4 =	vadd.s32 v1, v4;
	_ =	sdelay $0x2  }
0x6f: {  	s11 =	rddreg [dreg:$0x19]  }
0x70: {  	s12 =	rddreg [dreg:$0x18];
	v3 =	vperm.xlane v3, v2  }
0x71: {  	[tilespmem:s12], [sflag:$0x1] =	stream.indirect_vreg.gather [hbm4b:s1+s3], $0x80, v4, vm0, $0xb8;
	[tilespmem:$0x18100] =	vst v63  }
0x72: {  	s0 =	rddreg [dreg:$0x1d];
	v3 =	vadd.s32 v1, v3  }
0x73: {  	[tilespmem:s11], [sflag:$0x1] =	stream.indirect_vreg.gather [hbm4b:s5+s3], $0x80, v4, vm0, $0xb8;
	[tilespmem:$0x18100] =	vst v63  }
0x74: {  	s12 =	rddreg [dreg:$0x1a]  }
0x75: {  	[tilespmem:s12], [sflag:$0x1] =	stream.indirect_vreg.gather [hbm4b:s6+s3], $0x80, v4, vm0, $0xb8;
	[tilespmem:$0x18100] =	vst v63  }
0x76: {  	s11 =	rddreg [dreg:$0x1b]  }
0x77: {  	[tilespmem:s11], [sflag:$0x1] =	stream.indirect_vreg.gather [hbm4b:s1+s3], $0x80, v3, vm0, $0xb8;
	[tilespmem:$0x18100] =	vst v63  }
0x78: {  	s12 =	rddreg [dreg:$0x1c]  }
0x79: {  	[tilespmem:s12], [sflag:$0x1] =	stream.indirect_vreg.gather [hbm4b:s5+s3], $0x80, v3, vm0, $0xb8;
	[tilespmem:$0x18100] =	vst v63  }
0x7a: {  	s11 =	rddreg [dreg:$0x4]  }
0x7b: {  	[tilespmem:s0], [sflag:$0x1] =	stream.indirect_vreg.gather [hbm4b:s6+s3], $0x80, v3, vm0, $0xb8;
	[tilespmem:$0x18100] =	vst v63  }
0x7c: {  	s12 =	rddreg [dreg:$0x1e]  }
0x7d: {  	[tilespmem:s12], [sflag:$0x5] =	stream.linear.gather [hbm4b:s11+s3], $0x40, $0x38;
	[tilespmem:$0x18100] =	vst v63  }
0x7e: {  	_ =	swait.ge [sflag:s8], $0x40  }
0x7f: {  	[sflag:s8] =	ssyncset.done $0x0  }
0x80: {  	[sflag:s8] =	ssyncadd.s32 $0xFFFFFFC0  }
0x81: {  	v3 =	vld [tilespmem:$0x80];
	_ =	sdelay $0x4  }
0x82: {  	v60 =	vshrl.u32 v3, $0x3  }
0x83: {  	v4 =	vmul.u32 $0x30, v60  }
0x84: {  	v3 =	vand.u32 $0x7, v3  }
0x85: {  	v3 =	vor.u32 v3, v4  }
0x86: {  	v4 =	vperm.xlane v3, v0;
	_ =	sdelay $0x1  }
0x87: {  	v4 =	vadd.s32 v1, v4;
	_ =	sdelay $0x3  }
0x88: {  	s12 =	rddreg [dreg:$0x1f];
	v3 =	vperm.xlane v3, v2  }
0x89: {  	[tilespmem:s10], [sflag:$0x2] =	stream.indirect_vreg.gather [hbm4b:s1+s3], $0x80, v4, vm0, $0xb8;
	[tilespmem:$0x18100] =	vst v63  }
0x8a: {  	s11 =	sld [smem:$0x7F9];
	v3 =	vadd.s32 v1, v3  }
0x8b: {  	[tilespmem:s12], [sflag:$0x2] =	stream.indirect_vreg.gather [hbm4b:s5+s3], $0x80, v4, vm0, $0xb8;
	[tilespmem:$0x18100] =	vst v63  }
0x8c: {  	s12 =	sld [smem:$0x7FA]  }
0x8d: {  	[tilespmem:s11], [sflag:$0x2] =	stream.indirect_vreg.gather [hbm4b:s6+s3], $0x80, v4, vm0, $0xb8;
	[tilespmem:$0x18100] =	vst v63  }
0x8e: {  	s11 =	sld [smem:$0x7FB]  }
0x8f: {  	[tilespmem:s12], [sflag:$0x2] =	stream.indirect_vreg.gather [hbm4b:s1+s3], $0x80, v3, vm0, $0xb8;
	[tilespmem:$0x18100] =	vst v63  }
0x90: {  	s12 =	sld [smem:$0x7FC]  }
0x91: {  	[tilespmem:s11], [sflag:$0x2] =	stream.indirect_vreg.gather [hbm4b:s5+s3], $0x80, v3, vm0, $0xb8;
	[tilespmem:$0x18100] =	vst v63  }
0x92: {  	_ = 	snop  }
0x93: {  	[tilespmem:s12], [sflag:$0x2] =	stream.indirect_vreg.gather [hbm4b:s6+s3], $0x80, v3, vm0, $0xb8;
	[tilespmem:$0x18100] =	vst v63  }
0x94: {  	v3 =	vld [tilespmem:$0x90];
	_ =	sdelay $0x4  }
0x95: {  	v61 =	vshrl.u32 v3, $0x3  }
0x96: {  	v4 =	vmul.u32 $0x30, v61  }
0x97: {  	v3 =	vand.u32 $0x7, v3  }
0x98: {  	v3 =	vor.u32 v3, v4  }
0x99: {  	v4 =	vperm.xlane v3, v0;
	_ =	sdelay $0x1  }
0x9a: {  	v4 =	vadd.s32 v1, v4;
	_ =	sdelay $0x1  }
0x9b: {  	s12 =	sld [smem:$0x7FD];
	_ =	sdelay $0x1  }
0x9c: {  	v3 =	vperm.xlane v3, v2  }
0x9d: {  	[tilespmem:s12], [sflag:$0x2] =	stream.indirect_vreg.gather [hbm4b:s1+s3], $0x80, v4, vm0, $0xb8;
	[tilespmem:$0x18100] =	vst v63  }
0x9e: {  	s11 =	simm.s32 $0xF900;
	v3 =	vadd.s32 v1, v3  }
0x9f: {  	[tilespmem:s11], [sflag:$0x2] =	stream.indirect_vreg.gather [hbm4b:s5+s3], $0x80, v4, vm0, $0xb8;
	[tilespmem:$0x18100] =	vst v63  }
0xa0: {  	s12 =	simm.s32 $0x10100  }
0xa1: {  	[tilespmem:s12], [sflag:$0x2] =	stream.indirect_vreg.gather [hbm4b:s6+s3], $0x80, v4, vm0, $0xb8;
	[tilespmem:$0x18100] =	vst v63  }
0xa2: {  	_ = 	snop  }
0xa3: {  	[tilespmem:s13], [sflag:$0x2] =	stream.indirect_vreg.gather [hbm4b:s1+s3], $0x80, v3, vm0, $0xb8;
	[tilespmem:$0x18100] =	vst v63  }
0xa4: {  	_ = 	snop  }
0xa5: {  	[tilespmem:s14], [sflag:$0x2] =	stream.indirect_vreg.gather [hbm4b:s5+s3], $0x80, v3, vm0, $0xb8;
	[tilespmem:$0x18100] =	vst v63  }
0xa6: {  	_ = 	snop  }
0xa7: {  	[tilespmem:s15], [sflag:$0x2] =	stream.indirect_vreg.gather [hbm4b:s6+s3], $0x80, v3, vm0, $0xb8;
	[tilespmem:$0x18100] =	vst v63  }
0xa8: {  	v3 =	vld [tilespmem:$0xA0];
	_ =	sdelay $0x4  }
0xa9: {  	v62 =	vshrl.u32 v3, $0x3  }
0xaa: {  	v4 =	vmul.u32 $0x30, v62  }
0xab: {  	v3 =	vand.u32 $0x7, v3  }
0xac: {  	v3 =	vor.u32 v3, v4  }
0xad: {  	v4 =	vperm.xlane v3, v0;
	_ =	sdelay $0x1  }
0xae: {  	v4 =	vadd.s32 v1, v4;
	_ =	sdelay $0x3  }
0xaf: {  	v3 =	vperm.xlane v3, v2  }
0xb0: {  	[tilespmem:s16], [sflag:$0x2] =	stream.indirect_vreg.gather [hbm4b:s1+s3], $0x80, v4, vm0, $0xb8;
	[tilespmem:$0x18100] =	vst v63  }
0xb1: {  	v3 =	vadd.s32 v1, v3  }
0xb2: {  	[tilespmem:s17], [sflag:$0x2] =	stream.indirect_vreg.gather [hbm4b:s5+s3], $0x80, v4, vm0, $0xb8;
	[tilespmem:$0x18100] =	vst v63  }
0xb3: {  	_ = 	snop  }
0xb4: {  	[tilespmem:s18], [sflag:$0x2] =	stream.indirect_vreg.gather [hbm4b:s6+s3], $0x80, v4, vm0, $0xb8;
	[tilespmem:$0x18100] =	vst v63  }
0xb5: {  	_ = 	snop  }
0xb6: {  	[tilespmem:s19], [sflag:$0x2] =	stream.indirect_vreg.gather [hbm4b:s1+s3], $0x80, v3, vm0, $0xb8;
	[tilespmem:$0x18100] =	vst v63  }
0xb7: {  	_ = 	snop  }
0xb8: {  	[tilespmem:s20], [sflag:$0x2] =	stream.indirect_vreg.gather [hbm4b:s5+s3], $0x80, v3, vm0, $0xb8;
	[tilespmem:$0x18100] =	vst v63  }
0xb9: {  	_ = 	snop  }
0xba: {  	[tilespmem:s21], [sflag:$0x2] =	stream.indirect_vreg.gather [hbm4b:s6+s3], $0x80, v3, vm0, $0xb8;
	[tilespmem:$0x18100] =	vst v63  }
0xbb: {  	v3 =	vld [tilespmem:$0xB0];
	_ =	sdelay $0x4  }
0xbc: {  	v63 =	vshrl.u32 v3, $0x3  }
0xbd: {  	v4 =	vmul.u32 $0x30, v63  }
0xbe: {  	v3 =	vand.u32 $0x7, v3  }
0xbf: {  	v3 =	vor.u32 v3, v4  }
0xc0: {  	v4 =	vperm.xlane v3, v0;
	_ =	sdelay $0x1  }
0xc1: {  	v4 =	vadd.s32 v1, v4;
	_ =	sdelay $0x3  }
0xc2: {  	v3 =	vperm.xlane v3, v2  }
0xc3: {  	[tilespmem:s22], [sflag:$0x2] =	stream.indirect_vreg.gather [hbm4b:s1+s3], $0x80, v4, vm0, $0xb8;
	[tilespmem:$0x18100] =	vst v63  }
0xc4: {  	v3 =	vadd.s32 v1, v3  }
0xc5: {  	[tilespmem:s23], [sflag:$0x2] =	stream.indirect_vreg.gather [hbm4b:s5+s3], $0x80, v4, vm0, $0xb8;
	[tilespmem:$0x18100] =	vst v63  }
0xc6: {  	_ = 	snop  }
0xc7: {  	[tilespmem:s24], [sflag:$0x2] =	stream.indirect_vreg.gather [hbm4b:s6+s3], $0x80, v4, vm0, $0xb8;
	[tilespmem:$0x18100] =	vst v63  }
0xc8: {  	_ = 	snop  }
0xc9: {  	[tilespmem:s25], [sflag:$0x2] =	stream.indirect_vreg.gather [hbm4b:s1+s3], $0x80, v3, vm0, $0xb8;
	[tilespmem:$0x18100] =	vst v63  }
0xca: {  	_ = 	snop  }
0xcb: {  	[tilespmem:s26], [sflag:$0x2] =	stream.indirect_vreg.gather [hbm4b:s5+s3], $0x80, v3, vm0, $0xb8;
	[tilespmem:$0x18100] =	vst v63  }
0xcc: {  	_ = 	snop  }
0xcd: {  	[tilespmem:s28], [sflag:$0x2] =	stream.indirect_vreg.gather [hbm4b:s6+s3], $0x80, v3, vm0, $0xb8;
	[tilespmem:$0x18100] =	vst v63  }
0xce: {  	_ =	swait.ge [sflag:s29], $0xC000  }
0xcf: {  	[sflag:s29] =	ssyncset.done $0x0  }
0xd0: {  	s11 =	rddreg [dreg:$0x5];
	[sflag:s29] =	ssyncadd.s32 $0xFFFF4000  }
0xd1: {  	[hbm4b:s11+s3] =	stream.linear.scatter [tilespmem:s9], [sflag:$0x3], $0xC000, $0x38;
	[tilespmem:$0x18100] =	vst v63  }
0xd2: {  	_ =	swait.ge [sflag:s30], $0xC000  }
0xd3: {  	[sflag:s30] =	ssyncset.done $0x0  }
0xd4: {  	s12 =	rddreg [dreg:$0x6];
	[sflag:s30] =	ssyncadd.s32 $0xFFFF4000  }
0xd5: {  	[hbm4b:s12+s3] =	stream.linear.scatter [tilespmem:s10], [sflag:$0x4], $0xC000, $0x38;
	[tilespmem:$0x18100] =	vst v63  }
0xd6: {  	p0 =	sne.s32 s7, $0x1;
	_ =	swait.ge [sflag:s31], $0xC000  }
.Ltmp0:
0xd7: {  	[sflag:s31] =	ssyncset.done $0x0;
	(pc) =	sbr.rel @p0 .LBB2_1-.Ltmp0, $4  }
0xd8: {  	[sflag:s31] =	ssyncadd.s32 $0xFFFF4000  }
0xd9: {  	_ =	swait.ge [sflag:s2], $0xC000  }
0xda: {  	[sflag:s2] =	ssyncset.done $0x0  }
0xdb: {  	s7 =	sadd.s32 $0xFFFFFFFF, s7;
	[sflag:s2] =	ssyncadd.s32 $0xFFFF4000  }
0xdc: {  	_ =	sfence.sel $0x180000  }
0xdd: {  	[bflag:$0x0] =	sbarrier.arrive $0xFFFF  }
0xde: {  	_ =	strace $0x90000047  }
0xdf: {  	s0 =	stileid.u32;
	[bflag:$0x2] =	sbarrier.arrive $0xFFFF  }
0xe0: {  	p0 =	sne.s32 s0, $0x0;
	s0 =	rddreg [dreg:$0x3]  }
0xe1: {  	s0 =	sadd.s32 @!p0 $0x100000, s0  }
0xe2: {  	[sflag:s0] =	ssyncadd.tile.s32 @!p0 $0x1;
	_ =	shalt  }
.Lfunc_end2:
_tile_overlayer_lowered:
.L_overlay_start_2:
0xe3: {  	(tag) =	ssettag $0x2  }
0xe4: {  	s0 =	rddreg [dreg:$0x0];
	s2 =	stileid.u32  }
0xe5: {  	s1 =	rddreg [dreg:$0x1];
	p0 =	sne.s32 s2, $0x0  }
0xe6: {  	s3 =	rddreg [dreg:$0x2];
	[bflag:$0x3] =	sbarrier.arrive $0xFFFF;
	s2 =	simm.s32 @!p0 $0x1C05  }
0xe7: {  	[timem:s3], [sflag:s2] =	dma.local @!p0 [hbm:s0], s1  }
0xe8: {  	s0 =	simm.s32 @!p0 $0x5  }
0xe9: {  	_ =	swait.ge @!p0 [sflag:s0], s1  }
0xea: {  	s1 =	ssub.s32 @!p0 $0x0, s1;
	[sflag:s0] =	ssyncset.done @!p0 $0x0  }
0xeb: {  	[sflag:s0] =	ssyncadd.s32 @!p0 s1  }
0xec: {  	[bflag:$0x3] =	sbarrier.arrive $0xFFFF  }
0xed: {  	_ =	shalt  }

// kernel: _run.9.cloned.1.call-start
scs
__scs_entry_jumppad:
0x0: {  	(pc) =	sbr.rel $0x88, $3  }
0x1: {  	(tag) =	ssettag $0x0;
	lr =	simm.s32 $0x1  }
0x2: {  	[smem:$0x3F9B] =	sst lr;
	_ =	strace $0xD0000000  }
0x3: {  	_ = 	snop  }
0x4: {  	_ = 	snop  }
0x5: {  	_ = 	snop  }
0x6: {  	_ = 	snop  }
0x7: {  	_ = 	snop  }
__scs_overlays_trampoline_lowered:
0x8: {  	[smem:$0x3FAA] =	sst s0  }
0x9: {  	[smem:$0x3FAB] =	sst s1  }
0xa: {  	[smem:$0x3FAC] =	sst s2  }
0xb: {  	[smem:$0x3FAD] =	sst s3  }
0xc: {  	[smem:$0x3FAE] =	sst s4  }
0xd: {  	[smem:$0x3FAF] =	sst s5  }
0xe: {  	[smem:$0x3FB0] =	sst s6  }
0xf: {  	[smem:$0x3FB1] =	sst s7  }
0x10: {  	[smem:$0x3FB2] =	sst s8  }
0x11: {  	[smem:$0x3FB3] =	sst s9;
	s0 =	simm.s32 @!p0 $0x0  }
0x12: {  	s1 =	sld [smem:$0x3F99];
	s0 =	simm.s32 @p0 $0x1  }
0x13: {  	[smem:$0x3FB4] =	sst s0;
	s0 =	simm.s32 @!p1 $0x0  }
0x14: {  	s2 =	sld [smem:$0x3F98];
	s0 =	simm.s32 @p1 $0x1  }
0x15: {  	[smem:$0x3FB5] =	sst s0;
	s0 =	simm.s32 @!p2 $0x0  }
0x16: {  	s3 =	sld [smem:$0x3FDB];
	s0 =	simm.s32 @p2 $0x1  }
0x17: {  	s4 =	simm.s32 $0x1BF5;
	[smem:$0x3FB7] =	sst s0  }
0x18: {  	s0 =	sld [smem:$0x3F9A];
	_ =	swait.ge [sflag:s4], $0x0  }
0x19: {  	s7 =	sld [smem:$0x3F9B]  }
0x1a: {  	s8 =	sadd.s32 $0xFFFFE003, lr  }
0x1b: {  	s9 =	sadd.s32 $0xFFFFFEF7, lr;
	s5 =	simm.s32 $0xFFFFFFFF;
	p2 =	slt.u32 s8, $0xFFFFF086  }
0x1c: {  	p1 =	slt.u32 s9, $0xF7A;
	s5 =	simm.s32 @!p2 $0x0  }
0x1d: {  	s5 =	simm.s32 @p1 $0x1;
	p0 =	seq.s32 s7, s2  }
0x1e: {  	s7 =	smul.u32 @!p0 $0xF7A, s2;
	p2 =	seq.s32 @!p0 s5, $0x0  }
0x1f: {  	s9 =	smul.u32 $0xF7A, s1;
	s8 =	simm.s32 @!p0 $0x1BF5;
	p2 =	por !p2, p0  }
0x20: {  	[sflag:s8] =	ssyncset.s32 @!p0 $0xFFFFF086;
	s6 =	sadd.s32 @!p0 s3, s7;
	s7 =	simm.s32 @!p0 $0x108  }
0x21: {  	s3 =	sadd.s32 s3, s9;
	s6 =	sadd.s32 @!p0 $0x88, s6;
	s7 =	simm.s32 @p2 $0x1082  }
0x22: {  	[simem:s7], [sflag:s8] =	dma.local @!p0 [hbm:s6], $0xF7A  }
0x23: {  	s9 =	sor.u32 $0xD0000000, s2;
	s6 =	simm.s32 $0x108;
	_ =	swait.ge @!p0 [sflag:s8], $0x0  }
0x24: {  	s3 =	sadd.s32 $0x88, s3;
	s6 =	simm.s32 @!p1 $0x1082;
	[sflag:s4] =	ssyncset.s32 $0xFFFFF086  }
0x25: {  	[simem:s6], [sflag:s4] =	dma.local [hbm:s3], $0xF7A  }
0x26: {  	[smem:$0x3F9B] =	sst s1;
	(tag) =	ssettag s2;
	_ =	strace s9  }
0x27: {  	s1 =	sld [smem:$0x3FAB]  }
0x28: {  	s2 =	sld [smem:$0x3FAC]  }
0x29: {  	s4 =	sld [smem:$0x3FAE]  }
0x2a: {  	p0 =	seq.s32 s5, $0x0;
	s5 =	sld [smem:$0x3FAF]  }
0x2b: {  	s6 =	sld [smem:$0x3FB0]  }
0x2c: {  	s7 =	sld [smem:$0x3FB1]  }
0x2d: {  	s3 =	simm.s32 $0x108;
	s8 =	sld [smem:$0x3FB2]  }
0x2e: {  	s3 =	simm.s32 @!p0 $0x1082;
	s9 =	sld [smem:$0x3FB3]  }
0x2f: {  	lr =	sadd.s32 s0, s3;
	s0 =	sld [smem:$0x3FAA]  }
0x30: {  	s3 =	sld [smem:$0x3FAD]  }
0x31: {  	[smem:$0x3FB6] =	sst s10  }
0x32: {  	s10 =	sld [smem:$0x3FB4];
	_ =	sdelay $0x3  }
0x33: {  	p0 =	seq.s32 s10, $0x1;
	s10 =	sld [smem:$0x3FB6];
	_ =	sdelay $0x3  }
0x34: {  	[smem:$0x3FB6] =	sst s10  }
0x35: {  	s10 =	sld [smem:$0x3FB5];
	_ =	sdelay $0x3  }
0x36: {  	p1 =	seq.s32 s10, $0x1;
	s10 =	sld [smem:$0x3FB6];
	_ =	sdelay $0x3  }
0x37: {  	[smem:$0x3FB6] =	sst s10  }
0x38: {  	s10 =	sld [smem:$0x3FB7]  }
0x39: {  	_ = 	snop;
	(pc) =	sbr.ind lr, $3  }
0x3a: {  	_ = 	snop  }
0x3b: {  	_ = 	snop  }
0x3c: {  	p2 =	seq.s32 s10, $0x1;
	s10 =	sld [smem:$0x3FB6]  }
0x3d: {  	_ =	shalt  }
0x3e: {  	_ =	shalt  }
0x3f: {  	_ =	shalt  }
0x40: {  	_ =	shalt  }
0x41: {  	_ =	shalt  }
0x42: {  	_ =	shalt  }
0x43: {  	_ =	shalt  }
0x44: {  	_ =	shalt  }
0x45: {  	_ =	shalt  }
0x46: {  	_ =	shalt  }
0x47: {  	_ =	shalt  }
0x48: {  	_ =	shalt  }
0x49: {  	_ =	shalt  }
0x4a: {  	_ =	shalt  }
0x4b: {  	_ =	shalt  }
0x4c: {  	_ =	shalt  }
0x4d: {  	_ =	shalt  }
0x4e: {  	_ =	shalt  }
0x4f: {  	_ =	shalt  }
0x50: {  	_ =	shalt  }
0x51: {  	_ =	shalt  }
0x52: {  	_ =	shalt  }
0x53: {  	_ =	shalt  }
0x54: {  	_ =	shalt  }
0x55: {  	_ =	shalt  }
0x56: {  	_ =	shalt  }
0x57: {  	_ =	shalt  }
0x58: {  	_ =	shalt  }
0x59: {  	_ =	shalt  }
0x5a: {  	_ =	shalt  }
0x5b: {  	_ =	shalt  }
0x5c: {  	_ =	shalt  }
0x5d: {  	_ =	shalt  }
0x5e: {  	_ =	shalt  }
0x5f: {  	_ =	shalt  }
0x60: {  	_ =	shalt  }
0x61: {  	_ =	shalt  }
0x62: {  	_ =	shalt  }
0x63: {  	_ =	shalt  }
0x64: {  	_ =	shalt  }
0x65: {  	_ =	shalt  }
0x66: {  	_ =	shalt  }
0x67: {  	_ =	shalt  }
0x68: {  	_ =	shalt  }
0x69: {  	_ =	shalt  }
0x6a: {  	_ =	shalt  }
0x6b: {  	_ =	shalt  }
0x6c: {  	_ =	shalt  }
0x6d: {  	_ =	shalt  }
0x6e: {  	_ =	shalt  }
0x6f: {  	_ =	shalt  }
0x70: {  	_ =	shalt  }
0x71: {  	_ =	shalt  }
0x72: {  	_ =	shalt  }
0x73: {  	_ =	shalt  }
0x74: {  	_ =	shalt  }
0x75: {  	_ =	shalt  }
0x76: {  	_ =	shalt  }
0x77: {  	_ =	shalt  }
0x78: {  	_ =	shalt  }
0x79: {  	_ =	shalt  }
0x7a: {  	_ =	shalt  }
0x7b: {  	_ =	shalt  }
0x7c: {  	_ =	shalt  }
0x7d: {  	_ =	shalt  }
0x7e: {  	_ =	shalt  }
0x7f: {  	_ =	shalt  }
0x80: {  	_ =	shalt  }
0x81: {  	_ =	shalt  }
0x82: {  	_ =	shalt  }
0x83: {  	_ =	shalt  }
0x84: {  	_ =	shalt  }
0x85: {  	_ =	shalt  }
0x86: {  	_ =	shalt  }
0x87: {  	_ =	shalt  }
.Lfunc_end0:
.L_simem_size_0:
called_computation.1_lowered:
.L_overlay_start_0:
0x88: {  	s2 =	sld [smem:$0x3FD9]  }
0x89: {  	s3 =	sld [smem:$0x3FFE];
	_ =	sdelay $0x1  }
0x8a: {  	s1 =	srdreg.scid  }
0x8b: {  	s0 =	sand.u32 $0x1, s1  }
0x8c: {  	s17 =	sshll.u32 s0, $0xA;
	s2 =	sadd.s32 s3, s2  }
0x8d: {  	s2 =	sadd.s32 s2, s17  }
0x8e: {  	[smem:$0x3FC2] =	sst s2  }
0x8f: {  	_ = 	snop  }
0x90: {  	s18 =	sld [smem:$0x3FC9]  }
0x91: {  	s4 =	sld [smem:$0x3FC7];
	(tm) =	ssettm $0x1  }
0x92: {  	s19 =	sld [smem:$0x3FFB];
	_ =	sdelay $0x3  }
0x93: {  	_ =	strace s19  }
0x94: {  	s2 =	sld [smem:$0x3FFC];
	_ =	sdelay $0x3  }
0x95: {  	_ =	strace s2  }
0x96: {  	s2 =	sld [smem:$0x3FFD];
	_ =	sdelay $0x3  }
0x97: {  	_ =	strace s2  }
0x98: {  	_ =	strace $0x8FFFFFFF  }
0x99: {  	s20 =	sld [smem:$0x3FDB];
	_ =	sdelay $0x1  }
0x9a: {  	s5 =	simm.s32 $_scs_section_size  }
0x9b: {  	s6 =	simm.s32 $_size__tile_overlayer_lowered;
	s7 =	simm.s32 $_tile_overlayer_lowered  }
0x9c: {  	s8 =	simm.s32 $0x1BFF;
	s21 =	sshll.u32 s7, $0x1;
	s5 =	sadd.s32 s5, s20  }
0x9d: {  	s22 =	simm.s32 $0x0;
	s6 =	sshll.u32 s6, $0x1;
	s7 =	sadd.s32 s21, s5  }
0x9e: {  	[timem:s22], [sflag:s8] =	dma.local [hbm:s7], s6  }
0x9f: {  	_ =	swait.ge [sflag:s8], s6  }
0xa0: {  	s6 =	ssub.s32 $0x0, s6;
	[sflag:s8] =	ssyncset.done $0x0  }
0xa1: {  	[sflag:s8] =	ssyncadd.s32 s6;
	_ =	sdelay $0x1  }
0xa2: {  	s23 =	simm.s32 $0x1B8B  }
0xa3: {  	_ =	swait.ge [sflag:s23], $0x1  }
0xa4: {  	[sflag:s23] =	ssyncset.done $0x0  }
0xa5: {  	[sflag:s23] =	ssyncadd.s32 $0xFFFFFFFF  }
0xa6: {  	s6 =	sld [smem:$0x0]  }
0xa7: {  	s7 =	sand.u32 $0xFFFFFFFE, s1  }
0xa8: {  	p0 =	sne.s32 s1, s7  }
0xa9: {  	s7 =	sshll.u32 @p0 s7, $0xE  }
0xaa: {  	s7 =	sadd.s32 @p0 $0x11B8D, s7;
	s8 =	sshll.u32 @p0 s6, $0x11  }
0xab: {  	s7 =	sor.u32 @p0 s8, s7  }
0xac: {  	[sflag:s7] =	ssyncadd.remote.s32 @p0 $0x1;
	_ =	sdelay $0x1  }
0xad: {  	s7 =	simm.s32 @p0 $0x1B8D  }
0xae: {  	_ =	swait.eq @p0 [sflag:s7], $0x1  }
0xaf: {  	[sflag:s7] =	ssyncadd.s32 @p0 $0xFFFFFFFF  }
0xb0: {  	s8 =	sshll.u32 @!p0 s1, $0xE  }
0xb1: {  	s8 =	sor.u32 @!p0 $0x4000, s8;
	s7 =	simm.s32 @!p0 $0x1B8D  }
0xb2: {  	s6 =	sshll.u32 @!p0 s6, $0x11;
	s8 =	sadd.s32 @!p0 $0x11B8D, s8;
	_ =	swait.eq @!p0 [sflag:s7], $0x1  }
0xb3: {  	s6 =	sor.u32 @!p0 s6, s8;
	[sflag:s7] =	ssyncadd.s32 @!p0 $0xFFFFFFFF  }
0xb4: {  	s25 =	simm.s32 $0x1B8E;
	s24 =	sld [smem:$0x3FFE];
	[sflag:s6] =	ssyncadd.remote.s32 @!p0 $0x1  }
0xb5: {  	s26 =	simm.s32 $execute0_lowered;
	[smem:$0x3FD2] =	sst s25  }
0xb6: {  	s7 =	sshll.u32 s26, $0x1;
	_ =	strace $0x80000049;
	[dreg:$0x1] =	wrdreg $0xFFFFFFFF  }
0xb7: {  	s28 =	simm.s32 $_size_execute0_lowered;
	s5 =	sadd.s32 s5, s7;
	[dreg:$0x0] =	wrdreg $0x0  }
0xb8: {  	s7 =	sshll.u32 s28, $0x1;
	[dreg:$0x2] =	wrdreg s5  }
0xb9: {  	[dreg:$0x3] =	wrdreg s7  }
0xba: {  	[dreg:$0x4] =	wrdreg $0xC0  }
0xbb: {  	_ =	task [dreg:s22], $0x5FFFF  }
0xbc: {  	[dreg:$0x1] =	wrdreg $0xFFFFFFFF  }
0xbd: {  	[dreg:$0x0] =	wrdreg $0x60  }
0xbe: {  	[dreg:$0x2] =	wrdreg s4  }
0xbf: {  	[dreg:$0x3] =	wrdreg s18  }
0xc0: {  	[dreg:$0x4] =	wrdreg s24  }
0xc1: {  	[dreg:$0x5] =	wrdreg $0xA  }
0xc2: {  	_ =	task.clear_ibuf [dreg:s22], $0x6FFFF;
	_ =	strace $0x90000049  }
0xc3: {  	s29 =	simm.s32 $0xA;
	_ =	strace $0x8000004B  }
0xc4: {  	_ =	swait.ge [sflag:s29], $0x1  }
0xc5: {  	[sflag:s29] =	ssyncadd.s32 $0xFFFFFFFF  }
0xc6: {  	_ =	strace $0x9000004B  }
0xc7: {  	_ =	sfence  }
0xc8: {  	s30 =	sld [smem:$0x0];
	_ =	sdelay $0x2  }
0xc9: {  	s31 =	sshll.u32 s1, $0xD;
	s1 =	sshrl.u32 s1, $0x2  }
0xca: {  	s4 =	sand.u32 $0x4000, s31;
	s1 =	sadd.s32 s1, s30  }
0xcb: {  	s0 =	sor.u32 s4, s0;
	s1 =	sshll.u32 s1, $0x11  }
0xcc: {  	s0 =	sor.u32 s1, s0  }
0xcd: {  	s0 =	sadd.s32 $0x8F2B, s0  }
0xce: {  	[sflag:s0] =	ssyncadd.remote.s32 $0x1  }
0xcf: {  	_ =	sfence.sel $0xFFFF  }
0xd0: {  	[dreg:$0x0] =	wrdreg $0xFFFFFFFF;
	(pc) =	sbr.abs _section_cstart, $3  }
0xd1: {  	[dreg:$0x1] =	wrdreg $0xFFFFFFFF  }
0xd2: {  	_ =	task.clear_ibuf [dreg:s22], $0x2FFFF;
	_ =	strace $0x9FFFFFFF  }
0xd3: {  	(tm) =	ssettm $0x7FFFFFFF  }
tec
execute0_lowered:
.L_overlay_start_1:
0x0: {  	(tag) =	ssettag $0x1  }
0x1: {  	s1 =	srdreg.scid  }
0x2: {  	s0 =	stileid.u32;
	s2 =	sand.u32 $0x1, s1  }
0x3: {  	s3 =	sshll.u32 s0, $0x8;
	s4 =	sshll.u32 s2, $0x7  }
0x4: {  	s5 =	rddreg [dreg:$0x1];
	s4 =	sor.u32 s4, s3  }
0x5: {  	s7 =	rddreg [dreg:$0x2];
	s6 =	sshll.u32 s0, $0x4;
	s3 =	sshll.u32 s4, $0x2  }
0x6: {  	s1 =	rddreg [dreg:$0x0];
	s6 =	sor.u32 s6, s3;
	s3 =	simm.s32 $0x0  }
0x7: {  	s20 =	simm.s32 $0x900;
	[smem:$0x7FF] =	sst s3  }
0x8: {  	s21 =	simm.s32 $0x1100;
	_ =	strace $0x8000004A;
	[dreg:$0x8] =	wrdreg s20  }
0x9: {  	s22 =	simm.s32 $0x1900;
	[dreg:$0x9] =	wrdreg s21  }
0xa: {  	s23 =	simm.s32 $0x2100;
	[dreg:$0xa] =	wrdreg s22  }
0xb: {  	s24 =	simm.s32 $0x2900;
	[dreg:$0xb] =	wrdreg s23  }
0xc: {  	s25 =	simm.s32 $0x3100;
	[dreg:$0xc] =	wrdreg s24  }
0xd: {  	s26 =	simm.s32 $0x3900;
	s9 =	simm.s32 $0x6900;
	[dreg:$0xd] =	wrdreg s25  }
0xe: {  	s10 =	simm.s32 $0x7100;
	s0 =	simm.s32 $0x4100;
	[dreg:$0xe] =	wrdreg s26  }
0xf: {  	s11 =	simm.s32 $0x7900;
	s12 =	simm.s32 $0x8100;
	[dreg:$0xf] =	wrdreg s0  }
0x10: {  	s13 =	simm.s32 $0x8900;
	s14 =	simm.s32 $0x9100;
	[dreg:$0x14] =	wrdreg s9  }
0x11: {  	s15 =	simm.s32 $0x9900;
	s16 =	simm.s32 $0xA100;
	[dreg:$0x15] =	wrdreg s10  }
0x12: {  	s28 =	simm.s32 $0x17900;
	s29 =	simm.s32 $0x1;
	[dreg:$0x16] =	wrdreg s11  }
0x13: {  	s30 =	simm.s32 $0x2;
	s4 =	sshrl.u32 s4, $0x3;
	[dreg:$0x17] =	wrdreg s12  }
0x14: {  	s31 =	simm.s32 $0x3;
	s17 =	smul.u32 $0x1800, s4;
	[dreg:$0x18] =	wrdreg s13  }
0x15: {  	s7 =	sadd.s32 $0x61000, s7;
	s4 =	smul.u32 $0x300, s4;
	[dreg:$0x19] =	wrdreg s14  }
0x16: {  	s2 =	ssub.s32 $0x2, s2;
	s6 =	sand.u32 $0x1E80, s6;
	[dreg:$0x1a] =	wrdreg s15  }
0x17: {  	s6 =	sshrl.u32 s6, $0x3;
	s4 =	sadd.s32 s7, s4;
	[dreg:$0x1b] =	wrdreg s16  }
0x18: {  	s20 =	simm.s32 $0xB900;
	s21 =	simm.s32 $0x80;
	s22 =	simm.s32 $0xC900  }
0x19: {  	s23 =	simm.s32 $0xD100;
	s24 =	simm.s32 $0xD900;
	[dreg:$0x6] =	wrdreg s4  }
0x1a: {  	s25 =	simm.s32 $0xE100;
	s26 =	simm.s32 $0xE900;
	[dreg:$0x1e] =	wrdreg s20  }
0x1b: {  	s9 =	simm.s32 $0xC100;
	s12 =	simm.s32 $0x10100;
	[dreg:$0x1f] =	wrdreg s21  }
0x1c: {  	s13 =	simm.s32 $0x10900;
	s14 =	simm.s32 $0x11100;
	[smem:$0x7F9] =	sst s22  }
0x1d: {  	s15 =	simm.s32 $0x11900;
	s16 =	simm.s32 $0x12100;
	[smem:$0x7FA] =	sst s23  }
0x1e: {  	s5 =	sadd.s32 s6, s5;
	s6 =	sshrl.u32 s17, $0x3;
	[smem:$0x7FB] =	sst s24  }
0x1f: {  	s17 =	simm.s32 $0xA900;
	s4 =	sadd.s32 $0x100, s1;
	[smem:$0x7FC] =	sst s25  }
0x20: {  	[smem:$0x7FD] =	sst s26;
	s20 =	simm.s32 $0x14100;
	s21 =	simm.s32 $0x14900  }
0x21: {  	s22 =	simm.s32 $0x15100;
	s8 =	sadd.s32 $0x20, s5;
	[dreg:$0x1c] =	wrdreg s17  }
0x22: {  	s23 =	simm.s32 $0x15900;
	s5 =	sadd.s32 $0x28, s5;
	[dreg:$0x4] =	wrdreg s8  }
0x23: {  	s18 =	sadd.s32 s7, s6;
	s6 =	simm.s32 $0x5100;
	[dreg:$0x5] =	wrdreg s5  }
0x24: {  	s24 =	simm.s32 $0x16100;
	s7 =	simm.s32 $0x5900;
	[dreg:$0x11] =	wrdreg s6  }
0x25: {  	s25 =	simm.s32 $0x16900;
	s19 =	sadd.s32 $0x1800, s18;
	[dreg:$0x12] =	wrdreg s7  }
0x26: {  	s26 =	simm.s32 $0x17100;
	s5 =	simm.s32 $0x4900;
	[dreg:$0x7] =	wrdreg s19  }
0x27: {  	s17 =	simm.s32 $0x12900;
	s8 =	simm.s32 $0x6100;
	[dreg:$0x10] =	wrdreg s5  }
0x28: {  	s18 =	simm.s32 $0xB100;
	s7 =	simm.s32 $0x5;
	[dreg:$0x13] =	wrdreg s8  }
0x29: {  	v2 =	vlaneseq.u32;
	s19 =	sshrl.u32 s2, $0x1;
	[dreg:$0x1d] =	wrdreg s18;
	s5 =	sadd.s32 $0x200, s1  }
0x2a: {  	vm0 =	vmmov $0xffff;
	v1 =	vshrl.u32 v2, $0x3;
	s8 =	simm.s32 $0x100;
	s18 =	simm.s32 $0x13100;
	s2 =	ssub.s32 s2, s19  }
0x2b: {  	v0 =	vand.u32 $0x7, v2;
	v2 =	vor.u32 $0x8, v2;
	v1 =	vmul.u32 $0x8, v1;
	s19 =	simm.s32 $0x13900;
	s6 =	smax.u32 s2, $0x1;
	s2 =	simm.s32 $0x4  }
.LBB2_1:
0x2c: {  	s0 =	rddreg [dreg:$0x4]  }
0x2d: {  	[tilespmem:s3], [sflag:$0x5] =	stream.linear.gather [hbm4b:s0+s3], $0x40, $0x38;
	[tilespmem:$0x18100] =	vst v63  }
0x2e: {  	_ =	swait.ge [sflag:s7], $0x40  }
0x2f: {  	[sflag:s7] =	ssyncset.done $0x0  }
0x30: {  	[sflag:s7] =	ssyncadd.s32 $0xFFFFFFC0  }
0x31: {  	v3 =	vld [tilespmem:$0x0];
	_ =	sdelay $0x4  }
0x32: {  	v4 =	vshrl.u32 v3, $0x3  }
0x33: {  	v4 =	vmul.u32 $0x30, v4  }
0x34: {  	v3 =	vand.u32 $0x7, v3  }
0x35: {  	v3 =	vor.u32 v3, v4  }
0x36: {  	v4 =	vperm.xlane v3, v0;
	_ =	sdelay $0x1  }
0x37: {  	v4 =	vadd.s32 v1, v4;
	_ =	sdelay $0x3  }
0x38: {  	v3 =	vperm.xlane v3, v2  }
0x39: {  	[tilespmem:s8], [sflag:$0x1] =	stream.indirect_vreg.gather [hbm4b:s1+s3], $0x80, v4, vm0, $0xb8;
	[tilespmem:$0x18100] =	vst v63  }
0x3a: {  	s11 =	rddreg [dreg:$0x8];
	v3 =	vadd.s32 v1, v3  }
0x3b: {  	[tilespmem:s11], [sflag:$0x1] =	stream.indirect_vreg.gather [hbm4b:s4+s3], $0x80, v4, vm0, $0xb8;
	[tilespmem:$0x18100] =	vst v63  }
0x3c: {  	s10 =	rddreg [dreg:$0x9]  }
0x3d: {  	[tilespmem:s10], [sflag:$0x1] =	stream.indirect_vreg.gather [hbm4b:s5+s3], $0x80, v4, vm0, $0xb8;
	[tilespmem:$0x18100] =	vst v63  }
0x3e: {  	s11 =	rddreg [dreg:$0xa]  }
0x3f: {  	[tilespmem:s11], [sflag:$0x1] =	stream.indirect_vreg.gather [hbm4b:s1+s3], $0x80, v3, vm0, $0xb8;
	[tilespmem:$0x18100] =	vst v63  }
0x40: {  	s10 =	rddreg [dreg:$0xb]  }
0x41: {  	[tilespmem:s10], [sflag:$0x1] =	stream.indirect_vreg.gather [hbm4b:s4+s3], $0x80, v3, vm0, $0xb8;
	[tilespmem:$0x18100] =	vst v63  }
0x42: {  	s11 =	rddreg [dreg:$0xc]  }
0x43: {  	[tilespmem:s11], [sflag:$0x1] =	stream.indirect_vreg.gather [hbm4b:s5+s3], $0x80, v3, vm0, $0xb8;
	[tilespmem:$0x18100] =	vst v63  }
0x44: {  	v3 =	vld [tilespmem:$0x10];
	_ =	sdelay $0x4  }
0x45: {  	v57 =	vshrl.u32 v3, $0x3  }
0x46: {  	v4 =	vmul.u32 $0x30, v57  }
0x47: {  	v3 =	vand.u32 $0x7, v3  }
0x48: {  	v3 =	vor.u32 v3, v4  }
0x49: {  	v4 =	vperm.xlane v3, v0;
	_ =	sdelay $0x1  }
0x4a: {  	v4 =	vadd.s32 v1, v4;
	_ =	sdelay $0x3  }
0x4b: {  	s10 =	rddreg [dreg:$0xd];
	v3 =	vperm.xlane v3, v2  }
0x4c: {  	[tilespmem:s10], [sflag:$0x1] =	stream.indirect_vreg.gather [hbm4b:s1+s3], $0x80, v4, vm0, $0xb8;
	[tilespmem:$0x18100] =	vst v63  }
0x4d: {  	s11 =	rddreg [dreg:$0xe];
	v3 =	vadd.s32 v1, v3  }
0x4e: {  	[tilespmem:s11], [sflag:$0x1] =	stream.indirect_vreg.gather [hbm4b:s4+s3], $0x80, v4, vm0, $0xb8;
	[tilespmem:$0x18100] =	vst v63  }
0x4f: {  	s0 =	rddreg [dreg:$0xf]  }
0x50: {  	[tilespmem:s0], [sflag:$0x1] =	stream.indirect_vreg.gather [hbm4b:s5+s3], $0x80, v4, vm0, $0xb8;
	[tilespmem:$0x18100] =	vst v63  }
0x51: {  	s11 =	rddreg [dreg:$0x10]  }
0x52: {  	[tilespmem:s11], [sflag:$0x1] =	stream.indirect_vreg.gather [hbm4b:s1+s3], $0x80, v3, vm0, $0xb8;
	[tilespmem:$0x18100] =	vst v63  }
0x53: {  	s0 =	rddreg [dreg:$0x11]  }
0x54: {  	[tilespmem:s0], [sflag:$0x1] =	stream.indirect_vreg.gather [hbm4b:s4+s3], $0x80, v3, vm0, $0xb8;
	[tilespmem:$0x18100] =	vst v63  }
0x55: {  	s11 =	rddreg [dreg:$0x12]  }
0x56: {  	[tilespmem:s11], [sflag:$0x1] =	stream.indirect_vreg.gather [hbm4b:s5+s3], $0x80, v3, vm0, $0xb8;
	[tilespmem:$0x18100] =	vst v63  }
0x57: {  	v3 =	vld [tilespmem:$0x20];
	_ =	sdelay $0x4  }
0x58: {  	v58 =	vshrl.u32 v3, $0x3  }
0x59: {  	v4 =	vmul.u32 $0x30, v58  }
0x5a: {  	v3 =	vand.u32 $0x7, v3  }
0x5b: {  	v3 =	vor.u32 v3, v4  }
0x5c: {  	v4 =	vperm.xlane v3, v0;
	_ =	sdelay $0x1  }
0x5d: {  	v4 =	vadd.s32 v1, v4;
	_ =	sdelay $0x3  }
0x5e: {  	s10 =	rddreg [dreg:$0x13];
	v3 =	vperm.xlane v3, v2  }
0x5f: {  	[tilespmem:s10], [sflag:$0x1] =	stream.indirect_vreg.gather [hbm4b:s1+s3], $0x80, v4, vm0, $0xb8;
	[tilespmem:$0x18100] =	vst v63  }
0x60: {  	s11 =	rddreg [dreg:$0x14];
	v3 =	vadd.s32 v1, v3  }
0x61: {  	[tilespmem:s11], [sflag:$0x1] =	stream.indirect_vreg.gather [hbm4b:s4+s3], $0x80, v4, vm0, $0xb8;
	[tilespmem:$0x18100] =	vst v63  }
0x62: {  	s0 =	rddreg [dreg:$0x15]  }
0x63: {  	[tilespmem:s0], [sflag:$0x1] =	stream.indirect_vreg.gather [hbm4b:s5+s3], $0x80, v4, vm0, $0xb8;
	[tilespmem:$0x18100] =	vst v63  }
0x64: {  	s11 =	rddreg [dreg:$0x16]  }
0x65: {  	[tilespmem:s11], [sflag:$0x1] =	stream.indirect_vreg.gather [hbm4b:s1+s3], $0x80, v3, vm0, $0xb8;
	[tilespmem:$0x18100] =	vst v63  }
0x66: {  	s0 =	rddreg [dreg:$0x17]  }
0x67: {  	[tilespmem:s0], [sflag:$0x1] =	stream.indirect_vreg.gather [hbm4b:s4+s3], $0x80, v3, vm0, $0xb8;
	[tilespmem:$0x18100] =	vst v63  }
0x68: {  	s11 =	rddreg [dreg:$0x18]  }
0x69: {  	[tilespmem:s11], [sflag:$0x1] =	stream.indirect_vreg.gather [hbm4b:s5+s3], $0x80, v3, vm0, $0xb8;
	[tilespmem:$0x18100] =	vst v63  }
0x6a: {  	v3 =	vld [tilespmem:$0x30];
	_ =	sdelay $0x4  }
0x6b: {  	v59 =	vshrl.u32 v3, $0x3  }
0x6c: {  	v4 =	vmul.u32 $0x30, v59  }
0x6d: {  	v3 =	vand.u32 $0x7, v3  }
0x6e: {  	v3 =	vor.u32 v3, v4  }
0x6f: {  	v4 =	vperm.xlane v3, v0;
	_ =	sdelay $0x1  }
0x70: {  	v4 =	vadd.s32 v1, v4;
	_ =	sdelay $0x2  }
0x71: {  	s10 =	rddreg [dreg:$0x1a]  }
0x72: {  	s11 =	rddreg [dreg:$0x19];
	v3 =	vperm.xlane v3, v2  }
0x73: {  	[tilespmem:s11], [sflag:$0x1] =	stream.indirect_vreg.gather [hbm4b:s1+s3], $0x80, v4, vm0, $0xb8;
	[tilespmem:$0x18100] =	vst v63  }
0x74: {  	s0 =	rddreg [dreg:$0x1e];
	v3 =	vadd.s32 v1, v3  }
0x75: {  	[tilespmem:s10], [sflag:$0x1] =	stream.indirect_vreg.gather [hbm4b:s4+s3], $0x80, v4, vm0, $0xb8;
	[tilespmem:$0x18100] =	vst v63  }
0x76: {  	s11 =	rddreg [dreg:$0x1b]  }
0x77: {  	[tilespmem:s11], [sflag:$0x1] =	stream.indirect_vreg.gather [hbm4b:s5+s3], $0x80, v4, vm0, $0xb8;
	[tilespmem:$0x18100] =	vst v63  }
0x78: {  	s10 =	rddreg [dreg:$0x1c]  }
0x79: {  	[tilespmem:s10], [sflag:$0x1] =	stream.indirect_vreg.gather [hbm4b:s1+s3], $0x80, v3, vm0, $0xb8;
	[tilespmem:$0x18100] =	vst v63  }
0x7a: {  	s11 =	rddreg [dreg:$0x1d]  }
0x7b: {  	[tilespmem:s11], [sflag:$0x1] =	stream.indirect_vreg.gather [hbm4b:s4+s3], $0x80, v3, vm0, $0xb8;
	[tilespmem:$0x18100] =	vst v63  }
0x7c: {  	s10 =	rddreg [dreg:$0x5]  }
0x7d: {  	[tilespmem:s0], [sflag:$0x1] =	stream.indirect_vreg.gather [hbm4b:s5+s3], $0x80, v3, vm0, $0xb8;
	[tilespmem:$0x18100] =	vst v63  }
0x7e: {  	s11 =	rddreg [dreg:$0x1f]  }
0x7f: {  	[tilespmem:s11], [sflag:$0x5] =	stream.linear.gather [hbm4b:s10+s3], $0x40, $0x38;
	[tilespmem:$0x18100] =	vst v63  }
0x80: {  	_ =	swait.ge [sflag:s7], $0x40  }
0x81: {  	[sflag:s7] =	ssyncset.done $0x0  }
0x82: {  	[sflag:s7] =	ssyncadd.s32 $0xFFFFFFC0  }
0x83: {  	v3 =	vld [tilespmem:$0x80];
	_ =	sdelay $0x4  }
0x84: {  	v60 =	vshrl.u32 v3, $0x3  }
0x85: {  	v4 =	vmul.u32 $0x30, v60  }
0x86: {  	v3 =	vand.u32 $0x7, v3  }
0x87: {  	v3 =	vor.u32 v3, v4  }
0x88: {  	v4 =	vperm.xlane v3, v0;
	_ =	sdelay $0x1  }
0x89: {  	v4 =	vadd.s32 v1, v4;
	_ =	sdelay $0x3  }
0x8a: {  	s11 =	sld [smem:$0x7F9];
	v3 =	vperm.xlane v3, v2  }
0x8b: {  	[tilespmem:s9], [sflag:$0x2] =	stream.indirect_vreg.gather [hbm4b:s1+s3], $0x80, v4, vm0, $0xb8;
	[tilespmem:$0x18100] =	vst v63  }
0x8c: {  	s10 =	sld [smem:$0x7FA];
	v3 =	vadd.s32 v1, v3  }
0x8d: {  	[tilespmem:s11], [sflag:$0x2] =	stream.indirect_vreg.gather [hbm4b:s4+s3], $0x80, v4, vm0, $0xb8;
	[tilespmem:$0x18100] =	vst v63  }
0x8e: {  	s11 =	sld [smem:$0x7FB]  }
0x8f: {  	[tilespmem:s10], [sflag:$0x2] =	stream.indirect_vreg.gather [hbm4b:s5+s3], $0x80, v4, vm0, $0xb8;
	[tilespmem:$0x18100] =	vst v63  }
0x90: {  	s10 =	sld [smem:$0x7FC]  }
0x91: {  	[tilespmem:s11], [sflag:$0x2] =	stream.indirect_vreg.gather [hbm4b:s1+s3], $0x80, v3, vm0, $0xb8;
	[tilespmem:$0x18100] =	vst v63  }
0x92: {  	s11 =	sld [smem:$0x7FD]  }
0x93: {  	[tilespmem:s10], [sflag:$0x2] =	stream.indirect_vreg.gather [hbm4b:s4+s3], $0x80, v3, vm0, $0xb8;
	[tilespmem:$0x18100] =	vst v63  }
0x94: {  	_ = 	snop  }
0x95: {  	[tilespmem:s11], [sflag:$0x2] =	stream.indirect_vreg.gather [hbm4b:s5+s3], $0x80, v3, vm0, $0xb8;
	[tilespmem:$0x18100] =	vst v63  }
0x96: {  	v3 =	vld [tilespmem:$0x90];
	_ =	sdelay $0x4  }
0x97: {  	v61 =	vshrl.u32 v3, $0x3  }
0x98: {  	v4 =	vmul.u32 $0x30, v61  }
0x99: {  	v3 =	vand.u32 $0x7, v3  }
0x9a: {  	v3 =	vor.u32 v3, v4  }
0x9b: {  	v4 =	vperm.xlane v3, v0;
	_ =	sdelay $0x1  }
0x9c: {  	v4 =	vadd.s32 v1, v4;
	_ =	sdelay $0x3  }
0x9d: {  	s10 =	simm.s32 $0xF100;
	v3 =	vperm.xlane v3, v2  }
0x9e: {  	[tilespmem:s10], [sflag:$0x2] =	stream.indirect_vreg.gather [hbm4b:s1+s3], $0x80, v4, vm0, $0xb8;
	[tilespmem:$0x18100] =	vst v63  }
0x9f: {  	s11 =	simm.s32 $0xF900;
	v3 =	vadd.s32 v1, v3  }
0xa0: {  	[tilespmem:s11], [sflag:$0x2] =	stream.indirect_vreg.gather [hbm4b:s4+s3], $0x80, v4, vm0, $0xb8;
	[tilespmem:$0x18100] =	vst v63  }
0xa1: {  	_ = 	snop  }
0xa2: {  	[tilespmem:s12], [sflag:$0x2] =	stream.indirect_vreg.gather [hbm4b:s5+s3], $0x80, v4, vm0, $0xb8;
	[tilespmem:$0x18100] =	vst v63  }
0xa3: {  	_ = 	snop  }
0xa4: {  	[tilespmem:s13], [sflag:$0x2] =	stream.indirect_vreg.gather [hbm4b:s1+s3], $0x80, v3, vm0, $0xb8;
	[tilespmem:$0x18100] =	vst v63  }
0xa5: {  	_ = 	snop  }
0xa6: {  	[tilespmem:s14], [sflag:$0x2] =	stream.indirect_vreg.gather [hbm4b:s4+s3], $0x80, v3, vm0, $0xb8;
	[tilespmem:$0x18100] =	vst v63  }
0xa7: {  	_ = 	snop  }
0xa8: {  	[tilespmem:s15], [sflag:$0x2] =	stream.indirect_vreg.gather [hbm4b:s5+s3], $0x80, v3, vm0, $0xb8;
	[tilespmem:$0x18100] =	vst v63  }
0xa9: {  	v3 =	vld [tilespmem:$0xA0];
	_ =	sdelay $0x4  }
0xaa: {  	v62 =	vshrl.u32 v3, $0x3  }
0xab: {  	v4 =	vmul.u32 $0x30, v62  }
0xac: {  	v3 =	vand.u32 $0x7, v3  }
0xad: {  	v3 =	vor.u32 v3, v4  }
0xae: {  	v4 =	vperm.xlane v3, v0;
	_ =	sdelay $0x1  }
0xaf: {  	v4 =	vadd.s32 v1, v4;
	_ =	sdelay $0x3  }
0xb0: {  	v3 =	vperm.xlane v3, v2  }
0xb1: {  	[tilespmem:s16], [sflag:$0x2] =	stream.indirect_vreg.gather [hbm4b:s1+s3], $0x80, v4, vm0, $0xb8;
	[tilespmem:$0x18100] =	vst v63  }
0xb2: {  	v3 =	vadd.s32 v1, v3  }
0xb3: {  	[tilespmem:s17], [sflag:$0x2] =	stream.indirect_vreg.gather [hbm4b:s4+s3], $0x80, v4, vm0, $0xb8;
	[tilespmem:$0x18100] =	vst v63  }
0xb4: {  	_ = 	snop  }
0xb5: {  	[tilespmem:s18], [sflag:$0x2] =	stream.indirect_vreg.gather [hbm4b:s5+s3], $0x80, v4, vm0, $0xb8;
	[tilespmem:$0x18100] =	vst v63  }
0xb6: {  	_ = 	snop  }
0xb7: {  	[tilespmem:s19], [sflag:$0x2] =	stream.indirect_vreg.gather [hbm4b:s1+s3], $0x80, v3, vm0, $0xb8;
	[tilespmem:$0x18100] =	vst v63  }
0xb8: {  	_ = 	snop  }
0xb9: {  	[tilespmem:s20], [sflag:$0x2] =	stream.indirect_vreg.gather [hbm4b:s4+s3], $0x80, v3, vm0, $0xb8;
	[tilespmem:$0x18100] =	vst v63  }
0xba: {  	_ = 	snop  }
0xbb: {  	[tilespmem:s21], [sflag:$0x2] =	stream.indirect_vreg.gather [hbm4b:s5+s3], $0x80, v3, vm0, $0xb8;
	[tilespmem:$0x18100] =	vst v63  }
0xbc: {  	v3 =	vld [tilespmem:$0xB0];
	_ =	sdelay $0x4  }
0xbd: {  	v63 =	vshrl.u32 v3, $0x3  }
0xbe: {  	v4 =	vmul.u32 $0x30, v63  }
0xbf: {  	v3 =	vand.u32 $0x7, v3  }
0xc0: {  	v3 =	vor.u32 v3, v4  }
0xc1: {  	v4 =	vperm.xlane v3, v0;
	_ =	sdelay $0x1  }
0xc2: {  	v4 =	vadd.s32 v1, v4;
	_ =	sdelay $0x3  }
0xc3: {  	v3 =	vperm.xlane v3, v2  }
0xc4: {  	[tilespmem:s22], [sflag:$0x2] =	stream.indirect_vreg.gather [hbm4b:s1+s3], $0x80, v4, vm0, $0xb8;
	[tilespmem:$0x18100] =	vst v63  }
0xc5: {  	v3 =	vadd.s32 v1, v3  }
0xc6: {  	[tilespmem:s23], [sflag:$0x2] =	stream.indirect_vreg.gather [hbm4b:s4+s3], $0x80, v4, vm0, $0xb8;
	[tilespmem:$0x18100] =	vst v63  }
0xc7: {  	_ = 	snop  }
0xc8: {  	[tilespmem:s24], [sflag:$0x2] =	stream.indirect_vreg.gather [hbm4b:s5+s3], $0x80, v4, vm0, $0xb8;
	[tilespmem:$0x18100] =	vst v63  }
0xc9: {  	_ = 	snop  }
0xca: {  	[tilespmem:s25], [sflag:$0x2] =	stream.indirect_vreg.gather [hbm4b:s1+s3], $0x80, v3, vm0, $0xb8;
	[tilespmem:$0x18100] =	vst v63  }
0xcb: {  	_ = 	snop  }
0xcc: {  	[tilespmem:s26], [sflag:$0x2] =	stream.indirect_vreg.gather [hbm4b:s4+s3], $0x80, v3, vm0, $0xb8;
	[tilespmem:$0x18100] =	vst v63  }
0xcd: {  	_ = 	snop  }
0xce: {  	[tilespmem:s28], [sflag:$0x2] =	stream.indirect_vreg.gather [hbm4b:s5+s3], $0x80, v3, vm0, $0xb8;
	[tilespmem:$0x18100] =	vst v63  }
0xcf: {  	_ =	swait.ge [sflag:s29], $0xC000  }
0xd0: {  	[sflag:s29] =	ssyncset.done $0x0  }
0xd1: {  	s10 =	rddreg [dreg:$0x6];
	[sflag:s29] =	ssyncadd.s32 $0xFFFF4000  }
0xd2: {  	[hbm4b:s10+s3] =	stream.linear.scatter [tilespmem:s8], [sflag:$0x3], $0xC000, $0x38;
	[tilespmem:$0x18100] =	vst v63  }
0xd3: {  	_ =	swait.ge [sflag:s30], $0xC000  }
0xd4: {  	[sflag:s30] =	ssyncset.done $0x0  }
0xd5: {  	s11 =	rddreg [dreg:$0x7];
	[sflag:s30] =	ssyncadd.s32 $0xFFFF4000  }
0xd6: {  	[hbm4b:s11+s3] =	stream.linear.scatter [tilespmem:s9], [sflag:$0x4], $0xC000, $0x38;
	[tilespmem:$0x18100] =	vst v63  }
0xd7: {  	p0 =	sne.s32 s6, $0x1;
	_ =	swait.ge [sflag:s31], $0xC000  }
.Ltmp0:
0xd8: {  	[sflag:s31] =	ssyncset.done $0x0;
	(pc) =	sbr.rel @p0 .LBB2_1-.Ltmp0, $4  }
0xd9: {  	[sflag:s31] =	ssyncadd.s32 $0xFFFF4000  }
0xda: {  	_ =	swait.ge [sflag:s2], $0xC000  }
0xdb: {  	[sflag:s2] =	ssyncset.done $0x0  }
0xdc: {  	s6 =	sadd.s32 $0xFFFFFFFF, s6;
	[sflag:s2] =	ssyncadd.s32 $0xFFFF4000  }
0xdd: {  	_ =	sfence.sel $0x180000  }
0xde: {  	[bflag:$0x0] =	sbarrier.arrive $0xFFFF  }
0xdf: {  	_ =	strace $0x9000004A  }
0xe0: {  	s0 =	stileid.u32;
	[bflag:$0x2] =	sbarrier.arrive $0xFFFF  }
0xe1: {  	p0 =	sne.s32 s0, $0x0;
	s0 =	rddreg [dreg:$0x3]  }
0xe2: {  	s0 =	sadd.s32 @!p0 $0x100000, s0  }
0xe3: {  	[sflag:s0] =	ssyncadd.tile.s32 @!p0 $0x1;
	_ =	shalt  }
.Lfunc_end2:
_tile_overlayer_lowered:
.L_overlay_start_2:
0xe4: {  	(tag) =	ssettag $0x2  }
0xe5: {  	s0 =	rddreg [dreg:$0x0];
	s2 =	stileid.u32  }
0xe6: {  	s1 =	rddreg [dreg:$0x1];
	p0 =	sne.s32 s2, $0x0  }
0xe7: {  	s3 =	rddreg [dreg:$0x2];
	[bflag:$0x3] =	sbarrier.arrive $0xFFFF;
	s2 =	simm.s32 @!p0 $0x1C05  }
0xe8: {  	[timem:s3], [sflag:s2] =	dma.local @!p0 [hbm:s0], s1  }
0xe9: {  	s0 =	simm.s32 @!p0 $0x5  }
0xea: {  	_ =	swait.ge @!p0 [sflag:s0], s1  }
0xeb: {  	s1 =	ssub.s32 @!p0 $0x0, s1;
	[sflag:s0] =	ssyncset.done @!p0 $0x0  }
0xec: {  	[sflag:s0] =	ssyncadd.s32 @!p0 s1  }
0xed: {  	[bflag:$0x3] =	sbarrier.arrive $0xFFFF  }
0xee: {  	_ =	shalt  }

</sc_bundles>
